<compile_context>
chip_gen: v7x
topology: tpu7x:2x2x1
jax: 0.10.2.dev20260603
libtpu: 0.0.44.dev20260713+nightly
codegen_flags: <defaults>
</compile_context>

<pallas_src>
import functools

import jax
import jax.numpy as jnp
from jax import lax
from jax.experimental import pallas as pl
from jax.experimental.pallas import tpu as pltpu
from jax.experimental.pallas import tpu_sc as plsc

B = 8
N = 2048
S = 512
K = 16
DF = 32
C0 = 35
CP = 128
C1 = 64
C2 = 64
ROWS = B * S * K
CHUNK_ROWS = 8192
NCHUNK = ROWS // CHUNK_ROWS
EPS = 1e-5

SC_NC = 2
SC_NS = 16
SC_NW = SC_NC * SC_NS
RPW = ROWS // SC_NW
IDX_CHUNK = 128
NIDX = RPW // IDX_CHUNK
PHASE_ROWS = 512
NPHASE = RPW // PHASE_ROWS
DMA_PER_PHASE = PHASE_ROWS // IDX_CHUNK



def _fps_body(xyz_ref, nxyz_ref):
    GRP = 1
    GB = B // GRP
    xs = [(xyz_ref[0, g * GB:(g + 1) * GB],
           xyz_ref[1, g * GB:(g + 1) * GB],
           xyz_ref[2, g * GB:(g + 1) * GB]) for g in range(GRP)]
    lanes = lax.broadcasted_iota(jnp.int32, (GB, N), 1)
    neg = jnp.float32(-3e38)

    def body(t, carry):
        dists, fs = carry
        rows, ndists, nfs = [], [], []
        for g in range(GRP):
            x0, x1, x2 = xs[g]
            m = lanes == fs[g]
            cx = jnp.max(jnp.where(m, x0, neg), axis=1, keepdims=True)
            cy = jnp.max(jnp.where(m, x1, neg), axis=1, keepdims=True)
            cz = jnp.max(jnp.where(m, x2, neg), axis=1, keepdims=True)
            rows.append(jnp.concatenate([cx, cy, cz], axis=1))
            d = (x0 - cx) ** 2 + (x1 - cy) ** 2 + (x2 - cz) ** 2
            dn = jnp.minimum(dists[g], d)
            ndists.append(dn)
            nfs.append(jnp.argmax(dn, axis=1).astype(jnp.int32)[:, None])
        nxyz_ref[pl.ds(t, 1)] = jnp.concatenate(rows, axis=0)[None]
        return tuple(ndists), tuple(nfs)

    lax.fori_loop(0, S, body,
                  (tuple(jnp.full((GB, N), 1e10, jnp.float32)
                         for _ in range(GRP)),
                   tuple(jnp.zeros((GB, 1), jnp.int32) for _ in range(GRP))))


def _run_fps(xyz_planes):
    return pl.pallas_call(
        _fps_body,
        out_shape=jax.ShapeDtypeStruct((S, B, 3), jnp.float32),
    )(xyz_planes)



def _knn_body(nxyz_ref, xyz_ref, out_ref, d_ref):
    b = pl.program_id(0)
    c = nxyz_ref[0]
    xt = xyz_ref[0]
    mm = lax.dot_general(c, xt, (((1,), (0,)), ((), ())),
                         preferred_element_type=jnp.float32)
    ss = jnp.sum(c * c, axis=1, keepdims=True)
    sq = jnp.sum(xt * xt, axis=0, keepdims=True)
    d_ref[...] = (-2.0 * mm + ss) + sq
    lanes = lax.broadcasted_iota(jnp.int32, (S, N), 1)
    cols = []
    for _ in range(K):
        v = d_ref[...]
        idx = jnp.argmin(v, axis=1).astype(jnp.int32)[:, None]
        cols.append(idx)
        d_ref[...] = jnp.where(lanes == idx, jnp.float32(3e38), v)
    out_ref[0] = jnp.concatenate(cols, axis=1) + b * N


def _run_knn(new_xyz, xyz_t):
    return pl.pallas_call(
        _knn_body,
        grid=(B,),
        in_specs=[
            pl.BlockSpec((1, S, 3), lambda b: (b, 0, 0)),
            pl.BlockSpec((1, 3, N), lambda b: (b, 0, 0)),
        ],
        out_specs=pl.BlockSpec((1, S, K), lambda b: (b, 0, 0)),
        out_shape=jax.ShapeDtypeStruct((B, S, K), jnp.int32),
        scratch_shapes=[pltpu.VMEM((S, N), jnp.float32)],
    )(new_xyz, xyz_t)



def _sc_gather_body(table_hbm, idx_hbm, out_hbm, idx_v, rows_v, sem):
    wid = lax.axis_index("s") * SC_NC + lax.axis_index("c")
    pltpu.sync_copy(idx_hbm.at[pl.ds(wid * NIDX, NIDX)], idx_v)
    for p in range(NPHASE):
        copies = []
        for j in range(DMA_PER_PHASE):
            copies.append(pltpu.async_copy(
                table_hbm.at[idx_v.at[p * DMA_PER_PHASE + j]],
                rows_v.at[pl.ds(j * IDX_CHUNK, IDX_CHUNK)],
                sem))
        for cp in copies:
            cp.wait()
        pltpu.sync_copy(rows_v,
                        out_hbm.at[pl.ds(wid * RPW + p * PHASE_ROWS, PHASE_ROWS)])


def _gather_rows(table, idx2d):
    mesh = plsc.VectorSubcoreMesh(core_axis_name="c", subcore_axis_name="s")
    kfn = pl.kernel(
        _sc_gather_body,
        mesh=mesh,
        out_type=jax.ShapeDtypeStruct((ROWS, CP), jnp.float32),
        scratch_types=[
            pltpu.VMEM((NIDX, IDX_CHUNK), jnp.int32),
            pltpu.VMEM((PHASE_ROWS, CP), jnp.float32),
            pltpu.SemaphoreType.DMA,
        ],
    )
    return kfn(table, idx2d)



def _mlp_a_body(g_ref, nx_ref, w_ref, b_ref, h_ref, s1_ref, s2_ref):
    i = pl.program_id(0)
    g = g_ref[...]
    nx = nx_ref[...]
    xn = (g.reshape(CHUNK_ROWS // K, K, CP) - nx[:, None, :]).reshape(CHUNK_ROWS, CP)
    h = lax.dot_general(xn, w_ref[...], (((1,), (0,)), ((), ())),
                        preferred_element_type=jnp.float32) + b_ref[...]
    h_ref[...] = h

    @pl.when(i == 0)
    def _():
        s1_ref[...] = jnp.zeros((1, C1), jnp.float32)
        s2_ref[...] = jnp.zeros((1, C1), jnp.float32)

    s1_ref[...] += jnp.sum(h, axis=0, keepdims=True)
    s2_ref[...] += jnp.sum(h * h, axis=0, keepdims=True)


def _run_mlp_a(gathered, nx_pad, w1p, b1):
    return pl.pallas_call(
        _mlp_a_body,
        grid=(NCHUNK,),
        in_specs=[
            pl.BlockSpec((CHUNK_ROWS, CP), lambda i: (i, 0)),
            pl.BlockSpec((CHUNK_ROWS // K, CP), lambda i: (i, 0)),
            pl.BlockSpec((CP, C1), lambda i: (0, 0)),
            pl.BlockSpec((1, C1), lambda i: (0, 0)),
        ],
        out_specs=[
            pl.BlockSpec((CHUNK_ROWS, C1), lambda i: (i, 0)),
            pl.BlockSpec((1, C1), lambda i: (0, 0)),
            pl.BlockSpec((1, C1), lambda i: (0, 0)),
        ],
        out_shape=[
            jax.ShapeDtypeStruct((ROWS, C1), jnp.float32),
            jax.ShapeDtypeStruct((1, C1), jnp.float32),
            jax.ShapeDtypeStruct((1, C1), jnp.float32),
        ],
    )(gathered, nx_pad, w1p, b1)


def _bn_relu_rows(h, s1, s2, n, g, beta):
    mean = s1 * (1.0 / n)
    var = s2 * (1.0 / n) - mean * mean
    return jnp.maximum((h - mean) / jnp.sqrt(var + EPS) * g + beta, 0.0)


def _mlp_b_body(h_ref, s1_ref, s2_ref, g_ref, be_ref, w_ref, b_ref,
                h2_ref, t1_ref, t2_ref):
    i = pl.program_id(0)
    a = _bn_relu_rows(h_ref[...], s1_ref[...], s2_ref[...], float(ROWS),
                      g_ref[...], be_ref[...])
    h2 = lax.dot_general(a, w_ref[...], (((1,), (0,)), ((), ())),
                         preferred_element_type=jnp.float32) + b_ref[...]
    h2_ref[...] = h2

    @pl.when(i == 0)
    def _():
        t1_ref[...] = jnp.zeros((1, C2), jnp.float32)
        t2_ref[...] = jnp.zeros((1, C2), jnp.float32)

    t1_ref[...] += jnp.sum(h2, axis=0, keepdims=True)
    t2_ref[...] += jnp.sum(h2 * h2, axis=0, keepdims=True)


def _run_mlp_b(h1, s1, s2, g1, beta1, w2t, b2):
    vec = pl.BlockSpec((1, C1), lambda i: (0, 0))
    return pl.pallas_call(
        _mlp_b_body,
        grid=(NCHUNK,),
        in_specs=[
            pl.BlockSpec((CHUNK_ROWS, C1), lambda i: (i, 0)),
            vec, vec, vec, vec,
            pl.BlockSpec((C1, C2), lambda i: (0, 0)),
            pl.BlockSpec((1, C2), lambda i: (0, 0)),
        ],
        out_specs=[
            pl.BlockSpec((CHUNK_ROWS, C2), lambda i: (i, 0)),
            pl.BlockSpec((1, C2), lambda i: (0, 0)),
            pl.BlockSpec((1, C2), lambda i: (0, 0)),
        ],
        out_shape=[
            jax.ShapeDtypeStruct((ROWS, C2), jnp.float32),
            jax.ShapeDtypeStruct((1, C2), jnp.float32),
            jax.ShapeDtypeStruct((1, C2), jnp.float32),
        ],
    )(h1, s1, s2, g1, beta1, w2t, b2)


def _mlp_c_body(h2_ref, t1_ref, t2_ref, g_ref, be_ref, cls_ref,
                cw1_ref, cb1_ref, cg1_ref, cbe1_ref,
                cw2_ref, cb2_ref, cg2_ref, cbe2_ref,
                out_ref, cls_out_ref):
    i = pl.program_id(0)
    a = _bn_relu_rows(h2_ref[...], t1_ref[...], t2_ref[...], float(ROWS),
                      g_ref[...], be_ref[...])
    out_ref[...] = jnp.max(a.reshape(CHUNK_ROWS // K, K, C2), axis=1)

    @pl.when(i == 0)
    def _():
        xc = cls_ref[...]
        h = lax.dot_general(xc, cw1_ref[...], (((1,), (0,)), ((), ())),
                            preferred_element_type=jnp.float32) + cb1_ref[...]
        m1 = jnp.sum(h, axis=0, keepdims=True)
        q1 = jnp.sum(h * h, axis=0, keepdims=True)
        a1 = _bn_relu_rows(h, m1, q1, float(B), cg1_ref[...], cbe1_ref[...])
        h2 = lax.dot_general(a1, cw2_ref[...], (((1,), (0,)), ((), ())),
                             preferred_element_type=jnp.float32) + cb2_ref[...]
        m2 = jnp.sum(h2, axis=0, keepdims=True)
        q2 = jnp.sum(h2 * h2, axis=0, keepdims=True)
        cls_out_ref[...] = _bn_relu_rows(h2, m2, q2, float(B),
                                         cg2_ref[...], cbe2_ref[...])


def _run_mlp_c(h2, t1, t2, g2, beta2, cls_in, cw1p, cb1, cg1, cbe1,
               cw2t, cb2, cg2, cbe2):
    vec = pl.BlockSpec((1, C2), lambda i: (0, 0))
    return pl.pallas_call(
        _mlp_c_body,
        grid=(NCHUNK,),
        in_specs=[
            pl.BlockSpec((CHUNK_ROWS, C2), lambda i: (i, 0)),
            vec, vec, vec, vec,
            pl.BlockSpec((B, CP), lambda i: (0, 0)),
            pl.BlockSpec((CP, C1), lambda i: (0, 0)),
            vec, vec, vec,
            pl.BlockSpec((C1, C2), lambda i: (0, 0)),
            vec, vec, vec,
        ],
        out_specs=[
            pl.BlockSpec((CHUNK_ROWS // K, C2), lambda i: (i, 0)),
            pl.BlockSpec((B, C2), lambda i: (0, 0)),
        ],
        out_shape=[
            jax.ShapeDtypeStruct((B * S, C2), jnp.float32),
            jax.ShapeDtypeStruct((B, C2), jnp.float32),
        ],
    )(h2, t1, t2, g2, beta2, cls_in, cw1p, cb1, cg1, cbe1,
      cw2t, cb2, cg2, cbe2)



def _pad_cols(x, cols):
    return jnp.pad(x, ((0, 0), (0, cols - x.shape[-1])))


def kernel(xyz, points, params):
    xyz_r = xyz[:, 1:, :]
    pts_r = points[:, 1:, :]

    xyz_planes = jnp.transpose(xyz_r, (2, 0, 1))
    nxyz_sb = _run_fps(xyz_planes)
    new_xyz = jnp.transpose(nxyz_sb, (1, 0, 2))

    xyz_t = jnp.transpose(xyz_r, (0, 2, 1))
    knn_flat = _run_knn(new_xyz, xyz_t)

    table = _pad_cols(
        jnp.concatenate([xyz_r, pts_r], axis=-1).reshape(B * N, C0), CP)
    gathered = _gather_rows(table, knn_flat.reshape(ROWS // IDX_CHUNK, IDX_CHUNK))

    nx_pad = _pad_cols(new_xyz.reshape(B * S, 3), CP)

    p = params
    w1p = jnp.pad(p["sa_W0"].T, ((0, CP - C0), (0, 0)))
    h1, s1, s2 = _run_mlp_a(gathered, nx_pad, w1p, p["sa_b0"][None])
    h2, t1, t2 = _run_mlp_b(h1, s1, s2, p["sa_g0"][None], p["sa_beta0"][None],
                            p["sa_W1"].T, p["sa_b1"][None])

    cls_in = _pad_cols(
        jnp.concatenate([xyz[:, 0, :], points[:, 0, :]], axis=-1), CP)
    cw1p = jnp.pad(p["cls_W0"].T, ((0, CP - C0), (0, 0)))
    sa_out, cls_out = _run_mlp_c(
        h2, t1, t2, p["sa_g1"][None], p["sa_beta1"][None],
        cls_in, cw1p, p["cls_b0"][None], p["cls_g0"][None], p["cls_beta0"][None],
        p["cls_W1"].T, p["cls_b1"][None], p["cls_g1"][None], p["cls_beta1"][None])

    xyz_out = jnp.concatenate([xyz[:, :1, :], new_xyz], axis=1)
    points_out = jnp.concatenate(
        [cls_out[:, None, :], sa_out.reshape(B, S, C2)], axis=1)
    return xyz_out, points_out

# --- scband reference (transcript-rebuilt; emitter-appended) ---
"""Pipeline reference for scband-transition-down-687194767468 (READ-ONLY COPY).

The authoritative reference and input builder live on the scoring server;
editing this copy changes nothing except your own understanding.
"""

import jax, jax.numpy as jnp
import numpy as np

B = 8
N_TOTAL = 2049
D_FEAT = 32
NPOINT = 512
NSAMPLE = 16
CHANNELS = [35, 64, 64]
EPS = 1e-5


def setup_inputs(seed: int = 0):
    key = jax.random.key(seed)
    k1, k2, kp = jax.random.split(key, 3)
    xyz = jax.random.normal(k1, (B, N_TOTAL, 3), dtype=jnp.float32)
    points = jax.random.normal(k2, (B, N_TOTAL, D_FEAT), dtype=jnp.float32)
    params = {}
    last = CHANNELS[0]
    for i, out_c in enumerate(CHANNELS[1:]):
        kp, ka, kb = jax.random.split(kp, 3)
        params[f"sa_W{i}"] = jax.random.normal(ka, (out_c, last), dtype=jnp.float32) * (1.0 / np.sqrt(last))
        params[f"sa_b{i}"] = jnp.zeros((out_c,), dtype=jnp.float32)
        params[f"sa_g{i}"] = jnp.ones((out_c,), dtype=jnp.float32)
        params[f"sa_beta{i}"] = jnp.zeros((out_c,), dtype=jnp.float32)
        params[f"cls_W{i}"] = jax.random.normal(kb, (out_c, last), dtype=jnp.float32) * (1.0 / np.sqrt(last))
        params[f"cls_b{i}"] = jnp.zeros((out_c,), dtype=jnp.float32)
        params[f"cls_g{i}"] = jnp.ones((out_c,), dtype=jnp.float32)
        params[f"cls_beta{i}"] = jnp.zeros((out_c,), dtype=jnp.float32)
        last = out_c
    return {"xyz": xyz, "points": points, "params": params}


def index_points(points, idx):
    # points: [B, N, C]; idx: [B, S] or [B, S, K]
    return jax.vmap(lambda p, i: p[i])(points, idx)


def square_distance(src, dst):
    d = -2.0 * jnp.matmul(src, jnp.swapaxes(dst, 1, 2))
    d = d + jnp.sum(src ** 2, -1)[:, :, None]
    d = d + jnp.sum(dst ** 2, -1)[:, None, :]
    return d


def farthest_point_sample(xyz, npoint):
    b, n, _ = xyz.shape

    def body(carry, _):
        distance, farthest = carry
        centroid = jnp.take_along_axis(xyz, farthest[:, None, None], axis=1)
        dist = jnp.sum((xyz - centroid) ** 2, -1)
        distance = jnp.minimum(distance, dist)
        nxt = jnp.argmax(distance, axis=-1).astype(jnp.int32)
        return (distance, nxt), farthest

    init = (jnp.full((b, n), 1e10, dtype=xyz.dtype), jnp.zeros((b,), dtype=jnp.int32))
    _, cent = jax.lax.scan(body, init, None, length=npoint)
    return jnp.swapaxes(cent, 0, 1)  # [B, npoint]


def bn_relu(x, g, beta):
    # BatchNorm2d in training mode (fresh module): batch statistics, biased var
    mean = jnp.mean(x, axis=(0, 2, 3), keepdims=True)
    var = jnp.var(x, axis=(0, 2, 3), keepdims=True)
    xn = (x - mean) / jnp.sqrt(var + EPS)
    return jax.nn.relu(xn * g[None, :, None, None] + beta[None, :, None, None])


def conv1x1(x, W, b):
    return jnp.einsum('bcnk,oc->bonk', x, W) + b[None, :, None, None]


def compute_indices(xyz_r):
    fps_idx = farthest_point_sample(xyz_r, NPOINT)
    new_xyz = index_points(xyz_r, fps_idx)
    dists = square_distance(new_xyz, xyz_r)  # [B, S, N]
    knn_idx = jnp.argsort(dists, axis=-1)[:, :, :NSAMPLE]
    return fps_idx, knn_idx


def _forward(xyz, points, params, fps_idx, knn_idx):
    cls_xyz = xyz[..., 0:1, :]
    xyz_r = xyz[..., 1:, :]
    cls_feat = points[..., 0:1, :]
    points_r = points[..., 1:, :]

    # cls token MLP path
    cls_tok = jnp.concatenate([cls_xyz, cls_feat], axis=-1)  # [B, 1, C0]
    cls_tok = jnp.transpose(cls_tok, (0, 2, 1))[..., None]  # [B, C0, 1, 1]
    nlayers = len(CHANNELS) - 1
    for i in range(nlayers):
        cls_tok = bn_relu(conv1x1(cls_tok, params[f"cls_W{i}"], params[f"cls_b{i}"]),
                          params[f"cls_g{i}"], params[f"cls_beta{i}"])
    cls_tok = jnp.transpose(cls_tok[..., 0], (0, 2, 1))  # [B, 1, Cout]

    # set abstraction: sample_and_group (knn=True) + shared MLP + max pool
    new_xyz = index_points(xyz_r, fps_idx)  # [B, S, 3]
    grouped_xyz = index_points(xyz_r, knn_idx)  # [B, S, K, 3]
    grouped_xyz_norm = grouped_xyz - new_xyz[:, :, None, :]
    grouped_points = index_points(points_r, knn_idx)  # [B, S, K, D]
    new_points = jnp.concatenate([grouped_xyz_norm, grouped_points], axis=-1)
    new_points = jnp.transpose(new_points, (0, 3, 2, 1))  # [B, C0, K, S]
    for i in range(nlayers):
        new_points = bn_relu(conv1x1(new_points, params[f"sa_W{i}"], params[f"sa_b{i}"]),
                             params[f"sa_g{i}"], params[f"sa_beta{i}"])
    new_points = jnp.swapaxes(jnp.max(new_points, axis=2), 1, 2)  # [B, S, Cout]

    xyz_out = jnp.concatenate([cls_xyz, new_xyz], axis=-2)
    points_out = jnp.concatenate([cls_tok, new_points], axis=-2)
    return xyz_out, points_out


def reference(xyz, points, params):
    fps_idx, knn_idx = compute_indices(xyz[..., 1:, :])
    return _forward(xyz, points, params, fps_idx, knn_idx)

if __name__ == "__main__":
    import jax
    _d = setup_inputs()
    print(jax.jit(kernel)(*tuple(_d.values())))

</pallas_src>

<mosaic_0001>
#map = affine_map<(d0, d1) -> (0, 0)>
module attributes {stable_mosaic.version = 14 : i64} {
  func.func @_sc_gather_body(%arg0: i32, %arg1: i32, %arg2: memref<16384x128xf32, #tpu.memory_space<hbm>>, %arg3: memref<512x128xi32, #tpu.memory_space<hbm>>, %arg4: memref<65536x128xf32, #tpu.memory_space<hbm>>, %arg5: memref<16x128xi32, #tpu.memory_space<vmem>>, %arg6: memref<512x128xf32, #tpu.memory_space<vmem>>, %arg7: memref<!tpu.dma_semaphore, #tpu.memory_space<semaphore_mem>>) attributes {dimension_semantics = [#tpu.dimension_semantics<core_parallel>, #tpu.dimension_semantics<subcore_parallel>], iteration_bounds = array<i64: 2, 16>, scalar_prefetch = 0 : i64, scratch_operands = 3 : i64, tpu.core_type = #tpu.core_type<sc_vector_subcore>, window_params = [{transform_indices = #map}, {transform_indices = #map}, {transform_indices = #map}]} {
    %mul3A = arith.constant 2 : i32
    %mul3A_0 = arith.muli %arg1, %mul3A : i32
    %add3A = arith.addi %mul3A_0, %arg0 : i32
    %mul3A_1 = arith.constant 16 : i32
    %mul3A_2 = arith.muli %add3A, %mul3A_1 : i32
    "tpu.region"() ({
      %run_scoped3A = tpu.sem_alloc : memref<!tpu.dma_semaphore, #tpu.memory_space<semaphore_mem>>
      %dma_start3A_337 = arith.constant 0 : i32
      %dma_start3A_338 = tpu.memref_slice %arg3[%mul3A_2, %dma_start3A_337] : memref<512x128xi32, #tpu.memory_space<hbm>> -> memref<16x128xi32, #tpu.memory_space<hbm>>
      %dma_start3A_339 = arith.constant 0 : i32
      %dma_start3A_340 = tpu.memref_slice %arg3[%mul3A_2, %dma_start3A_339] : memref<512x128xi32, #tpu.memory_space<hbm>> -> memref<16x128xi32, #tpu.memory_space<hbm>>
      tpu.enqueue_dma source(%dma_start3A_340 : memref<16x128xi32, #tpu.memory_space<hbm>>) target(%arg5 : memref<16x128xi32, #tpu.memory_space<vmem>>) target_semaphore(%run_scoped3A : memref<!tpu.dma_semaphore, #tpu.memory_space<semaphore_mem>>)
      %dma_wait3A_341 = arith.constant 0 : i32
      %dma_wait3A_342 = tpu.memref_slice %arg3[%mul3A_2, %dma_wait3A_341] : memref<512x128xi32, #tpu.memory_space<hbm>> -> memref<16x128xi32, #tpu.memory_space<hbm>>
      %dma_wait3A_343 = arith.constant 0 : i32
      %dma_wait3A_344 = tpu.memref_slice %arg3[%mul3A_2, %dma_wait3A_343] : memref<512x128xi32, #tpu.memory_space<hbm>> -> memref<16x128xi32, #tpu.memory_space<hbm>>
      tpu.wait_dma2 semaphore(%run_scoped3A : memref<!tpu.dma_semaphore, #tpu.memory_space<semaphore_mem>>) src(%dma_wait3A_344 : memref<16x128xi32, #tpu.memory_space<hbm>>) dst(%arg5 : memref<16x128xi32, #tpu.memory_space<vmem>>)
      tpu.yield
    }) : () -> ()
    %dma_start3A = arith.constant 0 : i32
    %dma_start3A_3 = arith.constant 0 : i32
    %dma_start3A_4 = arith.constant 0 : i32
    %dma_start3A_5 = tpu.memref_slice %arg6[%dma_start3A_3, %dma_start3A_4] : memref<512x128xf32, #tpu.memory_space<vmem>> -> memref<128x128xf32, #tpu.memory_space<vmem>>
    %dma_start3A_6 = arith.constant 0 : i32
    %dma_start3A_7 = tpu.memref_slice %arg5[%dma_start3A, %dma_start3A_6] : memref<16x128xi32, #tpu.memory_space<vmem>> -> memref<1x128xi32, #tpu.memory_space<vmem>>
    %dma_start3A_8 = tpu.memref_squeeze %dma_start3A_7 : memref<1x128xi32, #tpu.memory_space<vmem>> -> memref<128xi32, #tpu.memory_space<vmem>>
    %dma_start3A_9 = arith.constant 0 : i32
    %dma_start3A_10 = arith.constant 0 : i32
    %dma_start3A_11 = tpu.memref_slice %arg2[%dma_start3A_9, %dma_start3A_10] : memref<16384x128xf32, #tpu.memory_space<hbm>> -> memref<16384x128xf32, #tpu.memory_space<hbm>>
    tpu.enqueue_indirect_dma source(%dma_start3A_11 : memref<16384x128xf32, #tpu.memory_space<hbm>>) target(%dma_start3A_5 : memref<128x128xf32, #tpu.memory_space<vmem>>) offsets(%dma_start3A_8 : memref<128xi32, #tpu.memory_space<vmem>>) semaphore(%arg7 : memref<!tpu.dma_semaphore, #tpu.memory_space<semaphore_mem>>)
    %dma_start3A_12 = arith.constant 1 : i32
    %dma_start3A_13 = arith.constant 128 : i32
    %dma_start3A_14 = arith.constant 0 : i32
    %dma_start3A_15 = tpu.memref_slice %arg6[%dma_start3A_13, %dma_start3A_14] : memref<512x128xf32, #tpu.memory_space<vmem>> -> memref<128x128xf32, #tpu.memory_space<vmem>>
    %dma_start3A_16 = arith.constant 0 : i32
    %dma_start3A_17 = tpu.memref_slice %arg5[%dma_start3A_12, %dma_start3A_16] : memref<16x128xi32, #tpu.memory_space<vmem>> -> memref<1x128xi32, #tpu.memory_space<vmem>>
    %dma_start3A_18 = tpu.memref_squeeze %dma_start3A_17 : memref<1x128xi32, #tpu.memory_space<vmem>> -> memref<128xi32, #tpu.memory_space<vmem>>
    %dma_start3A_19 = arith.constant 0 : i32
    %dma_start3A_20 = arith.constant 0 : i32
    %dma_start3A_21 = tpu.memref_slice %arg2[%dma_start3A_19, %dma_start3A_20] : memref<16384x128xf32, #tpu.memory_space<hbm>> -> memref<16384x128xf32, #tpu.memory_space<hbm>>
    tpu.enqueue_indirect_dma source(%dma_start3A_21 : memref<16384x128xf32, #tpu.memory_space<hbm>>) target(%dma_start3A_15 : memref<128x128xf32, #tpu.memory_space<vmem>>) offsets(%dma_start3A_18 : memref<128xi32, #tpu.memory_space<vmem>>) semaphore(%arg7 : memref<!tpu.dma_semaphore, #tpu.memory_space<semaphore_mem>>)
    %dma_start3A_22 = arith.constant 2 : i32
    %dma_start3A_23 = arith.constant 256 : i32
    %dma_start3A_24 = arith.constant 0 : i32
    %dma_start3A_25 = tpu.memref_slice %arg6[%dma_start3A_23, %dma_start3A_24] : memref<512x128xf32, #tpu.memory_space<vmem>> -> memref<128x128xf32, #tpu.memory_space<vmem>>
    %dma_start3A_26 = arith.constant 0 : i32
    %dma_start3A_27 = tpu.memref_slice %arg5[%dma_start3A_22, %dma_start3A_26] : memref<16x128xi32, #tpu.memory_space<vmem>> -> memref<1x128xi32, #tpu.memory_space<vmem>>
    %dma_start3A_28 = tpu.memref_squeeze %dma_start3A_27 : memref<1x128xi32, #tpu.memory_space<vmem>> -> memref<128xi32, #tpu.memory_space<vmem>>
    %dma_start3A_29 = arith.constant 0 : i32
    %dma_start3A_30 = arith.constant 0 : i32
    %dma_start3A_31 = tpu.memref_slice %arg2[%dma_start3A_29, %dma_start3A_30] : memref<16384x128xf32, #tpu.memory_space<hbm>> -> memref<16384x128xf32, #tpu.memory_space<hbm>>
    tpu.enqueue_indirect_dma source(%dma_start3A_31 : memref<16384x128xf32, #tpu.memory_space<hbm>>) target(%dma_start3A_25 : memref<128x128xf32, #tpu.memory_space<vmem>>) offsets(%dma_start3A_28 : memref<128xi32, #tpu.memory_space<vmem>>) semaphore(%arg7 : memref<!tpu.dma_semaphore, #tpu.memory_space<semaphore_mem>>)
    %dma_start3A_32 = arith.constant 3 : i32
    %dma_start3A_33 = arith.constant 384 : i32
    %dma_start3A_34 = arith.constant 0 : i32
    %dma_start3A_35 = tpu.memref_slice %arg6[%dma_start3A_33, %dma_start3A_34] : memref<512x128xf32, #tpu.memory_space<vmem>> -> memref<128x128xf32, #tpu.memory_space<vmem>>
    %dma_start3A_36 = arith.constant 0 : i32
    %dma_start3A_37 = tpu.memref_slice %arg5[%dma_start3A_32, %dma_start3A_36] : memref<16x128xi32, #tpu.memory_space<vmem>> -> memref<1x128xi32, #tpu.memory_space<vmem>>
    %dma_start3A_38 = tpu.memref_squeeze %dma_start3A_37 : memref<1x128xi32, #tpu.memory_space<vmem>> -> memref<128xi32, #tpu.memory_space<vmem>>
    %dma_start3A_39 = arith.constant 0 : i32
    %dma_start3A_40 = arith.constant 0 : i32
    %dma_start3A_41 = tpu.memref_slice %arg2[%dma_start3A_39, %dma_start3A_40] : memref<16384x128xf32, #tpu.memory_space<hbm>> -> memref<16384x128xf32, #tpu.memory_space<hbm>>
    tpu.enqueue_indirect_dma source(%dma_start3A_41 : memref<16384x128xf32, #tpu.memory_space<hbm>>) target(%dma_start3A_35 : memref<128x128xf32, #tpu.memory_space<vmem>>) offsets(%dma_start3A_38 : memref<128xi32, #tpu.memory_space<vmem>>) semaphore(%arg7 : memref<!tpu.dma_semaphore, #tpu.memory_space<semaphore_mem>>)
    %dma_wait3A = arith.constant 0 : i32
    %dma_wait3A_42 = arith.constant 0 : i32
    %dma_wait3A_43 = arith.constant 0 : i32
    %dma_wait3A_44 = tpu.memref_slice %arg6[%dma_wait3A_42, %dma_wait3A_43] : memref<512x128xf32, #tpu.memory_space<vmem>> -> memref<128x128xf32, #tpu.memory_space<vmem>>
    %dma_wait3A_45 = arith.constant 0 : i32
    %dma_wait3A_46 = tpu.memref_slice %arg5[%dma_wait3A, %dma_wait3A_45] : memref<16x128xi32, #tpu.memory_space<vmem>> -> memref<1x128xi32, #tpu.memory_space<vmem>>
    %dma_wait3A_47 = tpu.memref_squeeze %dma_wait3A_46 : memref<1x128xi32, #tpu.memory_space<vmem>> -> memref<128xi32, #tpu.memory_space<vmem>>
    %dma_wait3A_48 = arith.constant 0 : i32
    %dma_wait3A_49 = arith.constant 0 : i32
    %dma_wait3A_50 = tpu.memref_slice %arg2[%dma_wait3A_48, %dma_wait3A_49] : memref<16384x128xf32, #tpu.memory_space<hbm>> -> memref<16384x128xf32, #tpu.memory_space<hbm>>
    tpu.wait_indirect_dma semaphore(%arg7 : memref<!tpu.dma_semaphore, #tpu.memory_space<semaphore_mem>>) src(%dma_wait3A_50 : memref<16384x128xf32, #tpu.memory_space<hbm>>) dst(%dma_wait3A_44 : memref<128x128xf32, #tpu.memory_space<vmem>>)
    %dma_wait3A_51 = arith.constant 1 : i32
    %dma_wait3A_52 = arith.constant 128 : i32
    %dma_wait3A_53 = arith.constant 0 : i32
    %dma_wait3A_54 = tpu.memref_slice %arg6[%dma_wait3A_52, %dma_wait3A_53] : memref<512x128xf32, #tpu.memory_space<vmem>> -> memref<128x128xf32, #tpu.memory_space<vmem>>
    %dma_wait3A_55 = arith.constant 0 : i32
    %dma_wait3A_56 = tpu.memref_slice %arg5[%dma_wait3A_51, %dma_wait3A_55] : memref<16x128xi32, #tpu.memory_space<vmem>> -> memref<1x128xi32, #tpu.memory_space<vmem>>
    %dma_wait3A_57 = tpu.memref_squeeze %dma_wait3A_56 : memref<1x128xi32, #tpu.memory_space<vmem>> -> memref<128xi32, #tpu.memory_space<vmem>>
    %dma_wait3A_58 = arith.constant 0 : i32
    %dma_wait3A_59 = arith.constant 0 : i32
    %dma_wait3A_60 = tpu.memref_slice %arg2[%dma_wait3A_58, %dma_wait3A_59] : memref<16384x128xf32, #tpu.memory_space<hbm>> -> memref<16384x128xf32, #tpu.memory_space<hbm>>
    tpu.wait_indirect_dma semaphore(%arg7 : memref<!tpu.dma_semaphore, #tpu.memory_space<semaphore_mem>>) src(%dma_wait3A_60 : memref<16384x128xf32, #tpu.memory_space<hbm>>) dst(%dma_wait3A_54 : memref<128x128xf32, #tpu.memory_space<vmem>>)
    %dma_wait3A_61 = arith.constant 2 : i32
    %dma_wait3A_62 = arith.constant 256 : i32
    %dma_wait3A_63 = arith.constant 0 : i32
    %dma_wait3A_64 = tpu.memref_slice %arg6[%dma_wait3A_62, %dma_wait3A_63] : memref<512x128xf32, #tpu.memory_space<vmem>> -> memref<128x128xf32, #tpu.memory_space<vmem>>
    %dma_wait3A_65 = arith.constant 0 : i32
    %dma_wait3A_66 = tpu.memref_slice %arg5[%dma_wait3A_61, %dma_wait3A_65] : memref<16x128xi32, #tpu.memory_space<vmem>> -> memref<1x128xi32, #tpu.memory_space<vmem>>
    %dma_wait3A_67 = tpu.memref_squeeze %dma_wait3A_66 : memref<1x128xi32, #tpu.memory_space<vmem>> -> memref<128xi32, #tpu.memory_space<vmem>>
    %dma_wait3A_68 = arith.constant 0 : i32
    %dma_wait3A_69 = arith.constant 0 : i32
    %dma_wait3A_70 = tpu.memref_slice %arg2[%dma_wait3A_68, %dma_wait3A_69] : memref<16384x128xf32, #tpu.memory_space<hbm>> -> memref<16384x128xf32, #tpu.memory_space<hbm>>
    tpu.wait_indirect_dma semaphore(%arg7 : memref<!tpu.dma_semaphore, #tpu.memory_space<semaphore_mem>>) src(%dma_wait3A_70 : memref<16384x128xf32, #tpu.memory_space<hbm>>) dst(%dma_wait3A_64 : memref<128x128xf32, #tpu.memory_space<vmem>>)
    %dma_wait3A_71 = arith.constant 3 : i32
    %dma_wait3A_72 = arith.constant 384 : i32
    %dma_wait3A_73 = arith.constant 0 : i32
    %dma_wait3A_74 = tpu.memref_slice %arg6[%dma_wait3A_72, %dma_wait3A_73] : memref<512x128xf32, #tpu.memory_space<vmem>> -> memref<128x128xf32, #tpu.memory_space<vmem>>
    %dma_wait3A_75 = arith.constant 0 : i32
    %dma_wait3A_76 = tpu.memref_slice %arg5[%dma_wait3A_71, %dma_wait3A_75] : memref<16x128xi32, #tpu.memory_space<vmem>> -> memref<1x128xi32, #tpu.memory_space<vmem>>
    %dma_wait3A_77 = tpu.memref_squeeze %dma_wait3A_76 : memref<1x128xi32, #tpu.memory_space<vmem>> -> memref<128xi32, #tpu.memory_space<vmem>>
    %dma_wait3A_78 = arith.constant 0 : i32
    %dma_wait3A_79 = arith.constant 0 : i32
    %dma_wait3A_80 = tpu.memref_slice %arg2[%dma_wait3A_78, %dma_wait3A_79] : memref<16384x128xf32, #tpu.memory_space<hbm>> -> memref<16384x128xf32, #tpu.memory_space<hbm>>
    tpu.wait_indirect_dma semaphore(%arg7 : memref<!tpu.dma_semaphore, #tpu.memory_space<semaphore_mem>>) src(%dma_wait3A_80 : memref<16384x128xf32, #tpu.memory_space<hbm>>) dst(%dma_wait3A_74 : memref<128x128xf32, #tpu.memory_space<vmem>>)
    %mul3A_81 = arith.constant 2048 : i32
    %mul3A_82 = arith.muli %add3A, %mul3A_81 : i32
    %add3A_83 = arith.constant 0 : i32
    %add3A_84 = arith.addi %mul3A_82, %add3A_83 : i32
    "tpu.region"() ({
      %run_scoped3A = tpu.sem_alloc : memref<!tpu.dma_semaphore, #tpu.memory_space<semaphore_mem>>
      %dma_start3A_337 = arith.constant 0 : i32
      %dma_start3A_338 = tpu.memref_slice %arg4[%add3A_84, %dma_start3A_337] : memref<65536x128xf32, #tpu.memory_space<hbm>> -> memref<512x128xf32, #tpu.memory_space<hbm>>
      %dma_start3A_339 = arith.constant 0 : i32
      %dma_start3A_340 = tpu.memref_slice %arg4[%add3A_84, %dma_start3A_339] : memref<65536x128xf32, #tpu.memory_space<hbm>> -> memref<512x128xf32, #tpu.memory_space<hbm>>
      tpu.enqueue_dma source(%arg6 : memref<512x128xf32, #tpu.memory_space<vmem>>) target(%dma_start3A_340 : memref<512x128xf32, #tpu.memory_space<hbm>>) target_semaphore(%run_scoped3A : memref<!tpu.dma_semaphore, #tpu.memory_space<semaphore_mem>>)
      %dma_wait3A_341 = arith.constant 0 : i32
      %dma_wait3A_342 = tpu.memref_slice %arg4[%add3A_84, %dma_wait3A_341] : memref<65536x128xf32, #tpu.memory_space<hbm>> -> memref<512x128xf32, #tpu.memory_space<hbm>>
      %dma_wait3A_343 = arith.constant 0 : i32
      %dma_wait3A_344 = tpu.memref_slice %arg4[%add3A_84, %dma_wait3A_343] : memref<65536x128xf32, #tpu.memory_space<hbm>> -> memref<512x128xf32, #tpu.memory_space<hbm>>
      tpu.wait_dma2 semaphore(%run_scoped3A : memref<!tpu.dma_semaphore, #tpu.memory_space<semaphore_mem>>) src(%arg6 : memref<512x128xf32, #tpu.memory_space<vmem>>) dst(%dma_wait3A_344 : memref<512x128xf32, #tpu.memory_space<hbm>>)
      tpu.yield
    }) : () -> ()
    %dma_start3A_85 = arith.constant 4 : i32
    %dma_start3A_86 = arith.constant 0 : i32
    %dma_start3A_87 = arith.constant 0 : i32
    %dma_start3A_88 = tpu.memref_slice %arg6[%dma_start3A_86, %dma_start3A_87] : memref<512x128xf32, #tpu.memory_space<vmem>> -> memref<128x128xf32, #tpu.memory_space<vmem>>
    %dma_start3A_89 = arith.constant 0 : i32
    %dma_start3A_90 = tpu.memref_slice %arg5[%dma_start3A_85, %dma_start3A_89] : memref<16x128xi32, #tpu.memory_space<vmem>> -> memref<1x128xi32, #tpu.memory_space<vmem>>
    %dma_start3A_91 = tpu.memref_squeeze %dma_start3A_90 : memref<1x128xi32, #tpu.memory_space<vmem>> -> memref<128xi32, #tpu.memory_space<vmem>>
    %dma_start3A_92 = arith.constant 0 : i32
    %dma_start3A_93 = arith.constant 0 : i32
    %dma_start3A_94 = tpu.memref_slice %arg2[%dma_start3A_92, %dma_start3A_93] : memref<16384x128xf32, #tpu.memory_space<hbm>> -> memref<16384x128xf32, #tpu.memory_space<hbm>>
    tpu.enqueue_indirect_dma source(%dma_start3A_94 : memref<16384x128xf32, #tpu.memory_space<hbm>>) target(%dma_start3A_88 : memref<128x128xf32, #tpu.memory_space<vmem>>) offsets(%dma_start3A_91 : memref<128xi32, #tpu.memory_space<vmem>>) semaphore(%arg7 : memref<!tpu.dma_semaphore, #tpu.memory_space<semaphore_mem>>)
    %dma_start3A_95 = arith.constant 5 : i32
    %dma_start3A_96 = arith.constant 128 : i32
    %dma_start3A_97 = arith.constant 0 : i32
    %dma_start3A_98 = tpu.memref_slice %arg6[%dma_start3A_96, %dma_start3A_97] : memref<512x128xf32, #tpu.memory_space<vmem>> -> memref<128x128xf32, #tpu.memory_space<vmem>>
    %dma_start3A_99 = arith.constant 0 : i32
    %dma_start3A_100 = tpu.memref_slice %arg5[%dma_start3A_95, %dma_start3A_99] : memref<16x128xi32, #tpu.memory_space<vmem>> -> memref<1x128xi32, #tpu.memory_space<vmem>>
    %dma_start3A_101 = tpu.memref_squeeze %dma_start3A_100 : memref<1x128xi32, #tpu.memory_space<vmem>> -> memref<128xi32, #tpu.memory_space<vmem>>
    %dma_start3A_102 = arith.constant 0 : i32
    %dma_start3A_103 = arith.constant 0 : i32
    %dma_start3A_104 = tpu.memref_slice %arg2[%dma_start3A_102, %dma_start3A_103] : memref<16384x128xf32, #tpu.memory_space<hbm>> -> memref<16384x128xf32, #tpu.memory_space<hbm>>
    tpu.enqueue_indirect_dma source(%dma_start3A_104 : memref<16384x128xf32, #tpu.memory_space<hbm>>) target(%dma_start3A_98 : memref<128x128xf32, #tpu.memory_space<vmem>>) offsets(%dma_start3A_101 : memref<128xi32, #tpu.memory_space<vmem>>) semaphore(%arg7 : memref<!tpu.dma_semaphore, #tpu.memory_space<semaphore_mem>>)
    %dma_start3A_105 = arith.constant 6 : i32
    %dma_start3A_106 = arith.constant 256 : i32
    %dma_start3A_107 = arith.constant 0 : i32
    %dma_start3A_108 = tpu.memref_slice %arg6[%dma_start3A_106, %dma_start3A_107] : memref<512x128xf32, #tpu.memory_space<vmem>> -> memref<128x128xf32, #tpu.memory_space<vmem>>
    %dma_start3A_109 = arith.constant 0 : i32
    %dma_start3A_110 = tpu.memref_slice %arg5[%dma_start3A_105, %dma_start3A_109] : memref<16x128xi32, #tpu.memory_space<vmem>> -> memref<1x128xi32, #tpu.memory_space<vmem>>
    %dma_start3A_111 = tpu.memref_squeeze %dma_start3A_110 : memref<1x128xi32, #tpu.memory_space<vmem>> -> memref<128xi32, #tpu.memory_space<vmem>>
    %dma_start3A_112 = arith.constant 0 : i32
    %dma_start3A_113 = arith.constant 0 : i32
    %dma_start3A_114 = tpu.memref_slice %arg2[%dma_start3A_112, %dma_start3A_113] : memref<16384x128xf32, #tpu.memory_space<hbm>> -> memref<16384x128xf32, #tpu.memory_space<hbm>>
    tpu.enqueue_indirect_dma source(%dma_start3A_114 : memref<16384x128xf32, #tpu.memory_space<hbm>>) target(%dma_start3A_108 : memref<128x128xf32, #tpu.memory_space<vmem>>) offsets(%dma_start3A_111 : memref<128xi32, #tpu.memory_space<vmem>>) semaphore(%arg7 : memref<!tpu.dma_semaphore, #tpu.memory_space<semaphore_mem>>)
    %dma_start3A_115 = arith.constant 7 : i32
    %dma_start3A_116 = arith.constant 384 : i32
    %dma_start3A_117 = arith.constant 0 : i32
    %dma_start3A_118 = tpu.memref_slice %arg6[%dma_start3A_116, %dma_start3A_117] : memref<512x128xf32, #tpu.memory_space<vmem>> -> memref<128x128xf32, #tpu.memory_space<vmem>>
    %dma_start3A_119 = arith.constant 0 : i32
    %dma_start3A_120 = tpu.memref_slice %arg5[%dma_start3A_115, %dma_start3A_119] : memref<16x128xi32, #tpu.memory_space<vmem>> -> memref<1x128xi32, #tpu.memory_space<vmem>>
    %dma_start3A_121 = tpu.memref_squeeze %dma_start3A_120 : memref<1x128xi32, #tpu.memory_space<vmem>> -> memref<128xi32, #tpu.memory_space<vmem>>
    %dma_start3A_122 = arith.constant 0 : i32
    %dma_start3A_123 = arith.constant 0 : i32
    %dma_start3A_124 = tpu.memref_slice %arg2[%dma_start3A_122, %dma_start3A_123] : memref<16384x128xf32, #tpu.memory_space<hbm>> -> memref<16384x128xf32, #tpu.memory_space<hbm>>
    tpu.enqueue_indirect_dma source(%dma_start3A_124 : memref<16384x128xf32, #tpu.memory_space<hbm>>) target(%dma_start3A_118 : memref<128x128xf32, #tpu.memory_space<vmem>>) offsets(%dma_start3A_121 : memref<128xi32, #tpu.memory_space<vmem>>) semaphore(%arg7 : memref<!tpu.dma_semaphore, #tpu.memory_space<semaphore_mem>>)
    %dma_wait3A_125 = arith.constant 4 : i32
    %dma_wait3A_126 = arith.constant 0 : i32
    %dma_wait3A_127 = arith.constant 0 : i32
    %dma_wait3A_128 = tpu.memref_slice %arg6[%dma_wait3A_126, %dma_wait3A_127] : memref<512x128xf32, #tpu.memory_space<vmem>> -> memref<128x128xf32, #tpu.memory_space<vmem>>
    %dma_wait3A_129 = arith.constant 0 : i32
    %dma_wait3A_130 = tpu.memref_slice %arg5[%dma_wait3A_125, %dma_wait3A_129] : memref<16x128xi32, #tpu.memory_space<vmem>> -> memref<1x128xi32, #tpu.memory_space<vmem>>
    %dma_wait3A_131 = tpu.memref_squeeze %dma_wait3A_130 : memref<1x128xi32, #tpu.memory_space<vmem>> -> memref<128xi32, #tpu.memory_space<vmem>>
    %dma_wait3A_132 = arith.constant 0 : i32
    %dma_wait3A_133 = arith.constant 0 : i32
    %dma_wait3A_134 = tpu.memref_slice %arg2[%dma_wait3A_132, %dma_wait3A_133] : memref<16384x128xf32, #tpu.memory_space<hbm>> -> memref<16384x128xf32, #tpu.memory_space<hbm>>
    tpu.wait_indirect_dma semaphore(%arg7 : memref<!tpu.dma_semaphore, #tpu.memory_space<semaphore_mem>>) src(%dma_wait3A_134 : memref<16384x128xf32, #tpu.memory_space<hbm>>) dst(%dma_wait3A_128 : memref<128x128xf32, #tpu.memory_space<vmem>>)
    %dma_wait3A_135 = arith.constant 5 : i32
    %dma_wait3A_136 = arith.constant 128 : i32
    %dma_wait3A_137 = arith.constant 0 : i32
    %dma_wait3A_138 = tpu.memref_slice %arg6[%dma_wait3A_136, %dma_wait3A_137] : memref<512x128xf32, #tpu.memory_space<vmem>> -> memref<128x128xf32, #tpu.memory_space<vmem>>
    %dma_wait3A_139 = arith.constant 0 : i32
    %dma_wait3A_140 = tpu.memref_slice %arg5[%dma_wait3A_135, %dma_wait3A_139] : memref<16x128xi32, #tpu.memory_space<vmem>> -> memref<1x128xi32, #tpu.memory_space<vmem>>
    %dma_wait3A_141 = tpu.memref_squeeze %dma_wait3A_140 : memref<1x128xi32, #tpu.memory_space<vmem>> -> memref<128xi32, #tpu.memory_space<vmem>>
    %dma_wait3A_142 = arith.constant 0 : i32
    %dma_wait3A_143 = arith.constant 0 : i32
    %dma_wait3A_144 = tpu.memref_slice %arg2[%dma_wait3A_142, %dma_wait3A_143] : memref<16384x128xf32, #tpu.memory_space<hbm>> -> memref<16384x128xf32, #tpu.memory_space<hbm>>
    tpu.wait_indirect_dma semaphore(%arg7 : memref<!tpu.dma_semaphore, #tpu.memory_space<semaphore_mem>>) src(%dma_wait3A_144 : memref<16384x128xf32, #tpu.memory_space<hbm>>) dst(%dma_wait3A_138 : memref<128x128xf32, #tpu.memory_space<vmem>>)
    %dma_wait3A_145 = arith.constant 6 : i32
    %dma_wait3A_146 = arith.constant 256 : i32
    %dma_wait3A_147 = arith.constant 0 : i32
    %dma_wait3A_148 = tpu.memref_slice %arg6[%dma_wait3A_146, %dma_wait3A_147] : memref<512x128xf32, #tpu.memory_space<vmem>> -> memref<128x128xf32, #tpu.memory_space<vmem>>
    %dma_wait3A_149 = arith.constant 0 : i32
    %dma_wait3A_150 = tpu.memref_slice %arg5[%dma_wait3A_145, %dma_wait3A_149] : memref<16x128xi32, #tpu.memory_space<vmem>> -> memref<1x128xi32, #tpu.memory_space<vmem>>
    %dma_wait3A_151 = tpu.memref_squeeze %dma_wait3A_150 : memref<1x128xi32, #tpu.memory_space<vmem>> -> memref<128xi32, #tpu.memory_space<vmem>>
    %dma_wait3A_152 = arith.constant 0 : i32
    %dma_wait3A_153 = arith.constant 0 : i32
    %dma_wait3A_154 = tpu.memref_slice %arg2[%dma_wait3A_152, %dma_wait3A_153] : memref<16384x128xf32, #tpu.memory_space<hbm>> -> memref<16384x128xf32, #tpu.memory_space<hbm>>
    tpu.wait_indirect_dma semaphore(%arg7 : memref<!tpu.dma_semaphore, #tpu.memory_space<semaphore_mem>>) src(%dma_wait3A_154 : memref<16384x128xf32, #tpu.memory_space<hbm>>) dst(%dma_wait3A_148 : memref<128x128xf32, #tpu.memory_space<vmem>>)
    %dma_wait3A_155 = arith.constant 7 : i32
    %dma_wait3A_156 = arith.constant 384 : i32
    %dma_wait3A_157 = arith.constant 0 : i32
    %dma_wait3A_158 = tpu.memref_slice %arg6[%dma_wait3A_156, %dma_wait3A_157] : memref<512x128xf32, #tpu.memory_space<vmem>> -> memref<128x128xf32, #tpu.memory_space<vmem>>
    %dma_wait3A_159 = arith.constant 0 : i32
    %dma_wait3A_160 = tpu.memref_slice %arg5[%dma_wait3A_155, %dma_wait3A_159] : memref<16x128xi32, #tpu.memory_space<vmem>> -> memref<1x128xi32, #tpu.memory_space<vmem>>
    %dma_wait3A_161 = tpu.memref_squeeze %dma_wait3A_160 : memref<1x128xi32, #tpu.memory_space<vmem>> -> memref<128xi32, #tpu.memory_space<vmem>>
    %dma_wait3A_162 = arith.constant 0 : i32
    %dma_wait3A_163 = arith.constant 0 : i32
    %dma_wait3A_164 = tpu.memref_slice %arg2[%dma_wait3A_162, %dma_wait3A_163] : memref<16384x128xf32, #tpu.memory_space<hbm>> -> memref<16384x128xf32, #tpu.memory_space<hbm>>
    tpu.wait_indirect_dma semaphore(%arg7 : memref<!tpu.dma_semaphore, #tpu.memory_space<semaphore_mem>>) src(%dma_wait3A_164 : memref<16384x128xf32, #tpu.memory_space<hbm>>) dst(%dma_wait3A_158 : memref<128x128xf32, #tpu.memory_space<vmem>>)
    %mul3A_165 = arith.constant 2048 : i32
    %mul3A_166 = arith.muli %add3A, %mul3A_165 : i32
    %add3A_167 = arith.constant 512 : i32
    %add3A_168 = arith.addi %mul3A_166, %add3A_167 : i32
    "tpu.region"() ({
      %run_scoped3A = tpu.sem_alloc : memref<!tpu.dma_semaphore, #tpu.memory_space<semaphore_mem>>
      %dma_start3A_337 = arith.constant 0 : i32
      %dma_start3A_338 = tpu.memref_slice %arg4[%add3A_168, %dma_start3A_337] : memref<65536x128xf32, #tpu.memory_space<hbm>> -> memref<512x128xf32, #tpu.memory_space<hbm>>
      %dma_start3A_339 = arith.constant 0 : i32
      %dma_start3A_340 = tpu.memref_slice %arg4[%add3A_168, %dma_start3A_339] : memref<65536x128xf32, #tpu.memory_space<hbm>> -> memref<512x128xf32, #tpu.memory_space<hbm>>
      tpu.enqueue_dma source(%arg6 : memref<512x128xf32, #tpu.memory_space<vmem>>) target(%dma_start3A_340 : memref<512x128xf32, #tpu.memory_space<hbm>>) target_semaphore(%run_scoped3A : memref<!tpu.dma_semaphore, #tpu.memory_space<semaphore_mem>>)
      %dma_wait3A_341 = arith.constant 0 : i32
      %dma_wait3A_342 = tpu.memref_slice %arg4[%add3A_168, %dma_wait3A_341] : memref<65536x128xf32, #tpu.memory_space<hbm>> -> memref<512x128xf32, #tpu.memory_space<hbm>>
      %dma_wait3A_343 = arith.constant 0 : i32
      %dma_wait3A_344 = tpu.memref_slice %arg4[%add3A_168, %dma_wait3A_343] : memref<65536x128xf32, #tpu.memory_space<hbm>> -> memref<512x128xf32, #tpu.memory_space<hbm>>
      tpu.wait_dma2 semaphore(%run_scoped3A : memref<!tpu.dma_semaphore, #tpu.memory_space<semaphore_mem>>) src(%arg6 : memref<512x128xf32, #tpu.memory_space<vmem>>) dst(%dma_wait3A_344 : memref<512x128xf32, #tpu.memory_space<hbm>>)
      tpu.yield
    }) : () -> ()
    %dma_start3A_169 = arith.constant 8 : i32
    %dma_start3A_170 = arith.constant 0 : i32
    %dma_start3A_171 = arith.constant 0 : i32
    %dma_start3A_172 = tpu.memref_slice %arg6[%dma_start3A_170, %dma_start3A_171] : memref<512x128xf32, #tpu.memory_space<vmem>> -> memref<128x128xf32, #tpu.memory_space<vmem>>
    %dma_start3A_173 = arith.constant 0 : i32
    %dma_start3A_174 = tpu.memref_slice %arg5[%dma_start3A_169, %dma_start3A_173] : memref<16x128xi32, #tpu.memory_space<vmem>> -> memref<1x128xi32, #tpu.memory_space<vmem>>
    %dma_start3A_175 = tpu.memref_squeeze %dma_start3A_174 : memref<1x128xi32, #tpu.memory_space<vmem>> -> memref<128xi32, #tpu.memory_space<vmem>>
    %dma_start3A_176 = arith.constant 0 : i32
    %dma_start3A_177 = arith.constant 0 : i32
    %dma_start3A_178 = tpu.memref_slice %arg2[%dma_start3A_176, %dma_start3A_177] : memref<16384x128xf32, #tpu.memory_space<hbm>> -> memref<16384x128xf32, #tpu.memory_space<hbm>>
    tpu.enqueue_indirect_dma source(%dma_start3A_178 : memref<16384x128xf32, #tpu.memory_space<hbm>>) target(%dma_start3A_172 : memref<128x128xf32, #tpu.memory_space<vmem>>) offsets(%dma_start3A_175 : memref<128xi32, #tpu.memory_space<vmem>>) semaphore(%arg7 : memref<!tpu.dma_semaphore, #tpu.memory_space<semaphore_mem>>)
    %dma_start3A_179 = arith.constant 9 : i32
    %dma_start3A_180 = arith.constant 128 : i32
    %dma_start3A_181 = arith.constant 0 : i32
    %dma_start3A_182 = tpu.memref_slice %arg6[%dma_start3A_180, %dma_start3A_181] : memref<512x128xf32, #tpu.memory_space<vmem>> -> memref<128x128xf32, #tpu.memory_space<vmem>>
    %dma_start3A_183 = arith.constant 0 : i32
    %dma_start3A_184 = tpu.memref_slice %arg5[%dma_start3A_179, %dma_start3A_183] : memref<16x128xi32, #tpu.memory_space<vmem>> -> memref<1x128xi32, #tpu.memory_space<vmem>>
    %dma_start3A_185 = tpu.memref_squeeze %dma_start3A_184 : memref<1x128xi32, #tpu.memory_space<vmem>> -> memref<128xi32, #tpu.memory_space<vmem>>
    %dma_start3A_186 = arith.constant 0 : i32
    %dma_start3A_187 = arith.constant 0 : i32
    %dma_start3A_188 = tpu.memref_slice %arg2[%dma_start3A_186, %dma_start3A_187] : memref<16384x128xf32, #tpu.memory_space<hbm>> -> memref<16384x128xf32, #tpu.memory_space<hbm>>
    tpu.enqueue_indirect_dma source(%dma_start3A_188 : memref<16384x128xf32, #tpu.memory_space<hbm>>) target(%dma_start3A_182 : memref<128x128xf32, #tpu.memory_space<vmem>>) offsets(%dma_start3A_185 : memref<128xi32, #tpu.memory_space<vmem>>) semaphore(%arg7 : memref<!tpu.dma_semaphore, #tpu.memory_space<semaphore_mem>>)
    %dma_start3A_189 = arith.constant 10 : i32
    %dma_start3A_190 = arith.constant 256 : i32
    %dma_start3A_191 = arith.constant 0 : i32
    %dma_start3A_192 = tpu.memref_slice %arg6[%dma_start3A_190, %dma_start3A_191] : memref<512x128xf32, #tpu.memory_space<vmem>> -> memref<128x128xf32, #tpu.memory_space<vmem>>
    %dma_start3A_193 = arith.constant 0 : i32
    %dma_start3A_194 = tpu.memref_slice %arg5[%dma_start3A_189, %dma_start3A_193] : memref<16x128xi32, #tpu.memory_space<vmem>> -> memref<1x128xi32, #tpu.memory_space<vmem>>
    %dma_start3A_195 = tpu.memref_squeeze %dma_start3A_194 : memref<1x128xi32, #tpu.memory_space<vmem>> -> memref<128xi32, #tpu.memory_space<vmem>>
    %dma_start3A_196 = arith.constant 0 : i32
    %dma_start3A_197 = arith.constant 0 : i32
    %dma_start3A_198 = tpu.memref_slice %arg2[%dma_start3A_196, %dma_start3A_197] : memref<16384x128xf32, #tpu.memory_space<hbm>> -> memref<16384x128xf32, #tpu.memory_space<hbm>>
    tpu.enqueue_indirect_dma source(%dma_start3A_198 : memref<16384x128xf32, #tpu.memory_space<hbm>>) target(%dma_start3A_192 : memref<128x128xf32, #tpu.memory_space<vmem>>) offsets(%dma_start3A_195 : memref<128xi32, #tpu.memory_space<vmem>>) semaphore(%arg7 : memref<!tpu.dma_semaphore, #tpu.memory_space<semaphore_mem>>)
    %dma_start3A_199 = arith.constant 11 : i32
    %dma_start3A_200 = arith.constant 384 : i32
    %dma_start3A_201 = arith.constant 0 : i32
    %dma_start3A_202 = tpu.memref_slice %arg6[%dma_start3A_200, %dma_start3A_201] : memref<512x128xf32, #tpu.memory_space<vmem>> -> memref<128x128xf32, #tpu.memory_space<vmem>>
    %dma_start3A_203 = arith.constant 0 : i32
    %dma_start3A_204 = tpu.memref_slice %arg5[%dma_start3A_199, %dma_start3A_203] : memref<16x128xi32, #tpu.memory_space<vmem>> -> memref<1x128xi32, #tpu.memory_space<vmem>>
    %dma_start3A_205 = tpu.memref_squeeze %dma_start3A_204 : memref<1x128xi32, #tpu.memory_space<vmem>> -> memref<128xi32, #tpu.memory_space<vmem>>
    %dma_start3A_206 = arith.constant 0 : i32
    %dma_start3A_207 = arith.constant 0 : i32
    %dma_start3A_208 = tpu.memref_slice %arg2[%dma_start3A_206, %dma_start3A_207] : memref<16384x128xf32, #tpu.memory_space<hbm>> -> memref<16384x128xf32, #tpu.memory_space<hbm>>
    tpu.enqueue_indirect_dma source(%dma_start3A_208 : memref<16384x128xf32, #tpu.memory_space<hbm>>) target(%dma_start3A_202 : memref<128x128xf32, #tpu.memory_space<vmem>>) offsets(%dma_start3A_205 : memref<128xi32, #tpu.memory_space<vmem>>) semaphore(%arg7 : memref<!tpu.dma_semaphore, #tpu.memory_space<semaphore_mem>>)
    %dma_wait3A_209 = arith.constant 8 : i32
    %dma_wait3A_210 = arith.constant 0 : i32
    %dma_wait3A_211 = arith.constant 0 : i32
    %dma_wait3A_212 = tpu.memref_slice %arg6[%dma_wait3A_210, %dma_wait3A_211] : memref<512x128xf32, #tpu.memory_space<vmem>> -> memref<128x128xf32, #tpu.memory_space<vmem>>
    %dma_wait3A_213 = arith.constant 0 : i32
    %dma_wait3A_214 = tpu.memref_slice %arg5[%dma_wait3A_209, %dma_wait3A_213] : memref<16x128xi32, #tpu.memory_space<vmem>> -> memref<1x128xi32, #tpu.memory_space<vmem>>
    %dma_wait3A_215 = tpu.memref_squeeze %dma_wait3A_214 : memref<1x128xi32, #tpu.memory_space<vmem>> -> memref<128xi32, #tpu.memory_space<vmem>>
    %dma_wait3A_216 = arith.constant 0 : i32
    %dma_wait3A_217 = arith.constant 0 : i32
    %dma_wait3A_218 = tpu.memref_slice %arg2[%dma_wait3A_216, %dma_wait3A_217] : memref<16384x128xf32, #tpu.memory_space<hbm>> -> memref<16384x128xf32, #tpu.memory_space<hbm>>
    tpu.wait_indirect_dma semaphore(%arg7 : memref<!tpu.dma_semaphore, #tpu.memory_space<semaphore_mem>>) src(%dma_wait3A_218 : memref<16384x128xf32, #tpu.memory_space<hbm>>) dst(%dma_wait3A_212 : memref<128x128xf32, #tpu.memory_space<vmem>>)
    %dma_wait3A_219 = arith.constant 9 : i32
    %dma_wait3A_220 = arith.constant 128 : i32
    %dma_wait3A_221 = arith.constant 0 : i32
    %dma_wait3A_222 = tpu.memref_slice %arg6[%dma_wait3A_220, %dma_wait3A_221] : memref<512x128xf32, #tpu.memory_space<vmem>> -> memref<128x128xf32, #tpu.memory_space<vmem>>
    %dma_wait3A_223 = arith.constant 0 : i32
    %dma_wait3A_224 = tpu.memref_slice %arg5[%dma_wait3A_219, %dma_wait3A_223] : memref<16x128xi32, #tpu.memory_space<vmem>> -> memref<1x128xi32, #tpu.memory_space<vmem>>
    %dma_wait3A_225 = tpu.memref_squeeze %dma_wait3A_224 : memref<1x128xi32, #tpu.memory_space<vmem>> -> memref<128xi32, #tpu.memory_space<vmem>>
    %dma_wait3A_226 = arith.constant 0 : i32
    %dma_wait3A_227 = arith.constant 0 : i32
    %dma_wait3A_228 = tpu.memref_slice %arg2[%dma_wait3A_226, %dma_wait3A_227] : memref<16384x128xf32, #tpu.memory_space<hbm>> -> memref<16384x128xf32, #tpu.memory_space<hbm>>
    tpu.wait_indirect_dma semaphore(%arg7 : memref<!tpu.dma_semaphore, #tpu.memory_space<semaphore_mem>>) src(%dma_wait3A_228 : memref<16384x128xf32, #tpu.memory_space<hbm>>) dst(%dma_wait3A_222 : memref<128x128xf32, #tpu.memory_space<vmem>>)
    %dma_wait3A_229 = arith.constant 10 : i32
    %dma_wait3A_230 = arith.constant 256 : i32
    %dma_wait3A_231 = arith.constant 0 : i32
    %dma_wait3A_232 = tpu.memref_slice %arg6[%dma_wait3A_230, %dma_wait3A_231] : memref<512x128xf32, #tpu.memory_space<vmem>> -> memref<128x128xf32, #tpu.memory_space<vmem>>
    %dma_wait3A_233 = arith.constant 0 : i32
    %dma_wait3A_234 = tpu.memref_slice %arg5[%dma_wait3A_229, %dma_wait3A_233] : memref<16x128xi32, #tpu.memory_space<vmem>> -> memref<1x128xi32, #tpu.memory_space<vmem>>
    %dma_wait3A_235 = tpu.memref_squeeze %dma_wait3A_234 : memref<1x128xi32, #tpu.memory_space<vmem>> -> memref<128xi32, #tpu.memory_space<vmem>>
    %dma_wait3A_236 = arith.constant 0 : i32
    %dma_wait3A_237 = arith.constant 0 : i32
    %dma_wait3A_238 = tpu.memref_slice %arg2[%dma_wait3A_236, %dma_wait3A_237] : memref<16384x128xf32, #tpu.memory_space<hbm>> -> memref<16384x128xf32, #tpu.memory_space<hbm>>
    tpu.wait_indirect_dma semaphore(%arg7 : memref<!tpu.dma_semaphore, #tpu.memory_space<semaphore_mem>>) src(%dma_wait3A_238 : memref<16384x128xf32, #tpu.memory_space<hbm>>) dst(%dma_wait3A_232 : memref<128x128xf32, #tpu.memory_space<vmem>>)
    %dma_wait3A_239 = arith.constant 11 : i32
    %dma_wait3A_240 = arith.constant 384 : i32
    %dma_wait3A_241 = arith.constant 0 : i32
    %dma_wait3A_242 = tpu.memref_slice %arg6[%dma_wait3A_240, %dma_wait3A_241] : memref<512x128xf32, #tpu.memory_space<vmem>> -> memref<128x128xf32, #tpu.memory_space<vmem>>
    %dma_wait3A_243 = arith.constant 0 : i32
    %dma_wait3A_244 = tpu.memref_slice %arg5[%dma_wait3A_239, %dma_wait3A_243] : memref<16x128xi32, #tpu.memory_space<vmem>> -> memref<1x128xi32, #tpu.memory_space<vmem>>
    %dma_wait3A_245 = tpu.memref_squeeze %dma_wait3A_244 : memref<1x128xi32, #tpu.memory_space<vmem>> -> memref<128xi32, #tpu.memory_space<vmem>>
    %dma_wait3A_246 = arith.constant 0 : i32
    %dma_wait3A_247 = arith.constant 0 : i32
    %dma_wait3A_248 = tpu.memref_slice %arg2[%dma_wait3A_246, %dma_wait3A_247] : memref<16384x128xf32, #tpu.memory_space<hbm>> -> memref<16384x128xf32, #tpu.memory_space<hbm>>
    tpu.wait_indirect_dma semaphore(%arg7 : memref<!tpu.dma_semaphore, #tpu.memory_space<semaphore_mem>>) src(%dma_wait3A_248 : memref<16384x128xf32, #tpu.memory_space<hbm>>) dst(%dma_wait3A_242 : memref<128x128xf32, #tpu.memory_space<vmem>>)
    %mul3A_249 = arith.constant 2048 : i32
    %mul3A_250 = arith.muli %add3A, %mul3A_249 : i32
    %add3A_251 = arith.constant 1024 : i32
    %add3A_252 = arith.addi %mul3A_250, %add3A_251 : i32
    "tpu.region"() ({
      %run_scoped3A = tpu.sem_alloc : memref<!tpu.dma_semaphore, #tpu.memory_space<semaphore_mem>>
      %dma_start3A_337 = arith.constant 0 : i32
      %dma_start3A_338 = tpu.memref_slice %arg4[%add3A_252, %dma_start3A_337] : memref<65536x128xf32, #tpu.memory_space<hbm>> -> memref<512x128xf32, #tpu.memory_space<hbm>>
      %dma_start3A_339 = arith.constant 0 : i32
      %dma_start3A_340 = tpu.memref_slice %arg4[%add3A_252, %dma_start3A_339] : memref<65536x128xf32, #tpu.memory_space<hbm>> -> memref<512x128xf32, #tpu.memory_space<hbm>>
      tpu.enqueue_dma source(%arg6 : memref<512x128xf32, #tpu.memory_space<vmem>>) target(%dma_start3A_340 : memref<512x128xf32, #tpu.memory_space<hbm>>) target_semaphore(%run_scoped3A : memref<!tpu.dma_semaphore, #tpu.memory_space<semaphore_mem>>)
      %dma_wait3A_341 = arith.constant 0 : i32
      %dma_wait3A_342 = tpu.memref_slice %arg4[%add3A_252, %dma_wait3A_341] : memref<65536x128xf32, #tpu.memory_space<hbm>> -> memref<512x128xf32, #tpu.memory_space<hbm>>
      %dma_wait3A_343 = arith.constant 0 : i32
      %dma_wait3A_344 = tpu.memref_slice %arg4[%add3A_252, %dma_wait3A_343] : memref<65536x128xf32, #tpu.memory_space<hbm>> -> memref<512x128xf32, #tpu.memory_space<hbm>>
      tpu.wait_dma2 semaphore(%run_scoped3A : memref<!tpu.dma_semaphore, #tpu.memory_space<semaphore_mem>>) src(%arg6 : memref<512x128xf32, #tpu.memory_space<vmem>>) dst(%dma_wait3A_344 : memref<512x128xf32, #tpu.memory_space<hbm>>)
      tpu.yield
    }) : () -> ()
    %dma_start3A_253 = arith.constant 12 : i32
    %dma_start3A_254 = arith.constant 0 : i32
    %dma_start3A_255 = arith.constant 0 : i32
    %dma_start3A_256 = tpu.memref_slice %arg6[%dma_start3A_254, %dma_start3A_255] : memref<512x128xf32, #tpu.memory_space<vmem>> -> memref<128x128xf32, #tpu.memory_space<vmem>>
    %dma_start3A_257 = arith.constant 0 : i32
    %dma_start3A_258 = tpu.memref_slice %arg5[%dma_start3A_253, %dma_start3A_257] : memref<16x128xi32, #tpu.memory_space<vmem>> -> memref<1x128xi32, #tpu.memory_space<vmem>>
    %dma_start3A_259 = tpu.memref_squeeze %dma_start3A_258 : memref<1x128xi32, #tpu.memory_space<vmem>> -> memref<128xi32, #tpu.memory_space<vmem>>
    %dma_start3A_260 = arith.constant 0 : i32
    %dma_start3A_261 = arith.constant 0 : i32
    %dma_start3A_262 = tpu.memref_slice %arg2[%dma_start3A_260, %dma_start3A_261] : memref<16384x128xf32, #tpu.memory_space<hbm>> -> memref<16384x128xf32, #tpu.memory_space<hbm>>
    tpu.enqueue_indirect_dma source(%dma_start3A_262 : memref<16384x128xf32, #tpu.memory_space<hbm>>) target(%dma_start3A_256 : memref<128x128xf32, #tpu.memory_space<vmem>>) offsets(%dma_start3A_259 : memref<128xi32, #tpu.memory_space<vmem>>) semaphore(%arg7 : memref<!tpu.dma_semaphore, #tpu.memory_space<semaphore_mem>>)
    %dma_start3A_263 = arith.constant 13 : i32
    %dma_start3A_264 = arith.constant 128 : i32
    %dma_start3A_265 = arith.constant 0 : i32
    %dma_start3A_266 = tpu.memref_slice %arg6[%dma_start3A_264, %dma_start3A_265] : memref<512x128xf32, #tpu.memory_space<vmem>> -> memref<128x128xf32, #tpu.memory_space<vmem>>
    %dma_start3A_267 = arith.constant 0 : i32
    %dma_start3A_268 = tpu.memref_slice %arg5[%dma_start3A_263, %dma_start3A_267] : memref<16x128xi32, #tpu.memory_space<vmem>> -> memref<1x128xi32, #tpu.memory_space<vmem>>
    %dma_start3A_269 = tpu.memref_squeeze %dma_start3A_268 : memref<1x128xi32, #tpu.memory_space<vmem>> -> memref<128xi32, #tpu.memory_space<vmem>>
    %dma_start3A_270 = arith.constant 0 : i32
    %dma_start3A_271 = arith.constant 0 : i32
    %dma_start3A_272 = tpu.memref_slice %arg2[%dma_start3A_270, %dma_start3A_271] : memref<16384x128xf32, #tpu.memory_space<hbm>> -> memref<16384x128xf32, #tpu.memory_space<hbm>>
    tpu.enqueue_indirect_dma source(%dma_start3A_272 : memref<16384x128xf32, #tpu.memory_space<hbm>>) target(%dma_start3A_266 : memref<128x128xf32, #tpu.memory_space<vmem>>) offsets(%dma_start3A_269 : memref<128xi32, #tpu.memory_space<vmem>>) semaphore(%arg7 : memref<!tpu.dma_semaphore, #tpu.memory_space<semaphore_mem>>)
    %dma_start3A_273 = arith.constant 14 : i32
    %dma_start3A_274 = arith.constant 256 : i32
    %dma_start3A_275 = arith.constant 0 : i32
    %dma_start3A_276 = tpu.memref_slice %arg6[%dma_start3A_274, %dma_start3A_275] : memref<512x128xf32, #tpu.memory_space<vmem>> -> memref<128x128xf32, #tpu.memory_space<vmem>>
    %dma_start3A_277 = arith.constant 0 : i32
    %dma_start3A_278 = tpu.memref_slice %arg5[%dma_start3A_273, %dma_start3A_277] : memref<16x128xi32, #tpu.memory_space<vmem>> -> memref<1x128xi32, #tpu.memory_space<vmem>>
    %dma_start3A_279 = tpu.memref_squeeze %dma_start3A_278 : memref<1x128xi32, #tpu.memory_space<vmem>> -> memref<128xi32, #tpu.memory_space<vmem>>
    %dma_start3A_280 = arith.constant 0 : i32
    %dma_start3A_281 = arith.constant 0 : i32
    %dma_start3A_282 = tpu.memref_slice %arg2[%dma_start3A_280, %dma_start3A_281] : memref<16384x128xf32, #tpu.memory_space<hbm>> -> memref<16384x128xf32, #tpu.memory_space<hbm>>
    tpu.enqueue_indirect_dma source(%dma_start3A_282 : memref<16384x128xf32, #tpu.memory_space<hbm>>) target(%dma_start3A_276 : memref<128x128xf32, #tpu.memory_space<vmem>>) offsets(%dma_start3A_279 : memref<128xi32, #tpu.memory_space<vmem>>) semaphore(%arg7 : memref<!tpu.dma_semaphore, #tpu.memory_space<semaphore_mem>>)
    %dma_start3A_283 = arith.constant 15 : i32
    %dma_start3A_284 = arith.constant 384 : i32
    %dma_start3A_285 = arith.constant 0 : i32
    %dma_start3A_286 = tpu.memref_slice %arg6[%dma_start3A_284, %dma_start3A_285] : memref<512x128xf32, #tpu.memory_space<vmem>> -> memref<128x128xf32, #tpu.memory_space<vmem>>
    %dma_start3A_287 = arith.constant 0 : i32
    %dma_start3A_288 = tpu.memref_slice %arg5[%dma_start3A_283, %dma_start3A_287] : memref<16x128xi32, #tpu.memory_space<vmem>> -> memref<1x128xi32, #tpu.memory_space<vmem>>
    %dma_start3A_289 = tpu.memref_squeeze %dma_start3A_288 : memref<1x128xi32, #tpu.memory_space<vmem>> -> memref<128xi32, #tpu.memory_space<vmem>>
    %dma_start3A_290 = arith.constant 0 : i32
    %dma_start3A_291 = arith.constant 0 : i32
    %dma_start3A_292 = tpu.memref_slice %arg2[%dma_start3A_290, %dma_start3A_291] : memref<16384x128xf32, #tpu.memory_space<hbm>> -> memref<16384x128xf32, #tpu.memory_space<hbm>>
    tpu.enqueue_indirect_dma source(%dma_start3A_292 : memref<16384x128xf32, #tpu.memory_space<hbm>>) target(%dma_start3A_286 : memref<128x128xf32, #tpu.memory_space<vmem>>) offsets(%dma_start3A_289 : memref<128xi32, #tpu.memory_space<vmem>>) semaphore(%arg7 : memref<!tpu.dma_semaphore, #tpu.memory_space<semaphore_mem>>)
    %dma_wait3A_293 = arith.constant 12 : i32
    %dma_wait3A_294 = arith.constant 0 : i32
    %dma_wait3A_295 = arith.constant 0 : i32
    %dma_wait3A_296 = tpu.memref_slice %arg6[%dma_wait3A_294, %dma_wait3A_295] : memref<512x128xf32, #tpu.memory_space<vmem>> -> memref<128x128xf32, #tpu.memory_space<vmem>>
    %dma_wait3A_297 = arith.constant 0 : i32
    %dma_wait3A_298 = tpu.memref_slice %arg5[%dma_wait3A_293, %dma_wait3A_297] : memref<16x128xi32, #tpu.memory_space<vmem>> -> memref<1x128xi32, #tpu.memory_space<vmem>>
    %dma_wait3A_299 = tpu.memref_squeeze %dma_wait3A_298 : memref<1x128xi32, #tpu.memory_space<vmem>> -> memref<128xi32, #tpu.memory_space<vmem>>
    %dma_wait3A_300 = arith.constant 0 : i32
    %dma_wait3A_301 = arith.constant 0 : i32
    %dma_wait3A_302 = tpu.memref_slice %arg2[%dma_wait3A_300, %dma_wait3A_301] : memref<16384x128xf32, #tpu.memory_space<hbm>> -> memref<16384x128xf32, #tpu.memory_space<hbm>>
    tpu.wait_indirect_dma semaphore(%arg7 : memref<!tpu.dma_semaphore, #tpu.memory_space<semaphore_mem>>) src(%dma_wait3A_302 : memref<16384x128xf32, #tpu.memory_space<hbm>>) dst(%dma_wait3A_296 : memref<128x128xf32, #tpu.memory_space<vmem>>)
    %dma_wait3A_303 = arith.constant 13 : i32
    %dma_wait3A_304 = arith.constant 128 : i32
    %dma_wait3A_305 = arith.constant 0 : i32
    %dma_wait3A_306 = tpu.memref_slice %arg6[%dma_wait3A_304, %dma_wait3A_305] : memref<512x128xf32, #tpu.memory_space<vmem>> -> memref<128x128xf32, #tpu.memory_space<vmem>>
    %dma_wait3A_307 = arith.constant 0 : i32
    %dma_wait3A_308 = tpu.memref_slice %arg5[%dma_wait3A_303, %dma_wait3A_307] : memref<16x128xi32, #tpu.memory_space<vmem>> -> memref<1x128xi32, #tpu.memory_space<vmem>>
    %dma_wait3A_309 = tpu.memref_squeeze %dma_wait3A_308 : memref<1x128xi32, #tpu.memory_space<vmem>> -> memref<128xi32, #tpu.memory_space<vmem>>
    %dma_wait3A_310 = arith.constant 0 : i32
    %dma_wait3A_311 = arith.constant 0 : i32
    %dma_wait3A_312 = tpu.memref_slice %arg2[%dma_wait3A_310, %dma_wait3A_311] : memref<16384x128xf32, #tpu.memory_space<hbm>> -> memref<16384x128xf32, #tpu.memory_space<hbm>>
    tpu.wait_indirect_dma semaphore(%arg7 : memref<!tpu.dma_semaphore, #tpu.memory_space<semaphore_mem>>) src(%dma_wait3A_312 : memref<16384x128xf32, #tpu.memory_space<hbm>>) dst(%dma_wait3A_306 : memref<128x128xf32, #tpu.memory_space<vmem>>)
    %dma_wait3A_313 = arith.constant 14 : i32
    %dma_wait3A_314 = arith.constant 256 : i32
    %dma_wait3A_315 = arith.constant 0 : i32
    %dma_wait3A_316 = tpu.memref_slice %arg6[%dma_wait3A_314, %dma_wait3A_315] : memref<512x128xf32, #tpu.memory_space<vmem>> -> memref<128x128xf32, #tpu.memory_space<vmem>>
    %dma_wait3A_317 = arith.constant 0 : i32
    %dma_wait3A_318 = tpu.memref_slice %arg5[%dma_wait3A_313, %dma_wait3A_317] : memref<16x128xi32, #tpu.memory_space<vmem>> -> memref<1x128xi32, #tpu.memory_space<vmem>>
    %dma_wait3A_319 = tpu.memref_squeeze %dma_wait3A_318 : memref<1x128xi32, #tpu.memory_space<vmem>> -> memref<128xi32, #tpu.memory_space<vmem>>
    %dma_wait3A_320 = arith.constant 0 : i32
    %dma_wait3A_321 = arith.constant 0 : i32
    %dma_wait3A_322 = tpu.memref_slice %arg2[%dma_wait3A_320, %dma_wait3A_321] : memref<16384x128xf32, #tpu.memory_space<hbm>> -> memref<16384x128xf32, #tpu.memory_space<hbm>>
    tpu.wait_indirect_dma semaphore(%arg7 : memref<!tpu.dma_semaphore, #tpu.memory_space<semaphore_mem>>) src(%dma_wait3A_322 : memref<16384x128xf32, #tpu.memory_space<hbm>>) dst(%dma_wait3A_316 : memref<128x128xf32, #tpu.memory_space<vmem>>)
    %dma_wait3A_323 = arith.constant 15 : i32
    %dma_wait3A_324 = arith.constant 384 : i32
    %dma_wait3A_325 = arith.constant 0 : i32
    %dma_wait3A_326 = tpu.memref_slice %arg6[%dma_wait3A_324, %dma_wait3A_325] : memref<512x128xf32, #tpu.memory_space<vmem>> -> memref<128x128xf32, #tpu.memory_space<vmem>>
    %dma_wait3A_327 = arith.constant 0 : i32
    %dma_wait3A_328 = tpu.memref_slice %arg5[%dma_wait3A_323, %dma_wait3A_327] : memref<16x128xi32, #tpu.memory_space<vmem>> -> memref<1x128xi32, #tpu.memory_space<vmem>>
    %dma_wait3A_329 = tpu.memref_squeeze %dma_wait3A_328 : memref<1x128xi32, #tpu.memory_space<vmem>> -> memref<128xi32, #tpu.memory_space<vmem>>
    %dma_wait3A_330 = arith.constant 0 : i32
    %dma_wait3A_331 = arith.constant 0 : i32
    %dma_wait3A_332 = tpu.memref_slice %arg2[%dma_wait3A_330, %dma_wait3A_331] : memref<16384x128xf32, #tpu.memory_space<hbm>> -> memref<16384x128xf32, #tpu.memory_space<hbm>>
    tpu.wait_indirect_dma semaphore(%arg7 : memref<!tpu.dma_semaphore, #tpu.memory_space<semaphore_mem>>) src(%dma_wait3A_332 : memref<16384x128xf32, #tpu.memory_space<hbm>>) dst(%dma_wait3A_326 : memref<128x128xf32, #tpu.memory_space<vmem>>)
    %mul3A_333 = arith.constant 2048 : i32
    %mul3A_334 = arith.muli %add3A, %mul3A_333 : i32
    %add3A_335 = arith.constant 1536 : i32
    %add3A_336 = arith.addi %mul3A_334, %add3A_335 : i32
    "tpu.region"() ({
      %run_scoped3A = tpu.sem_alloc : memref<!tpu.dma_semaphore, #tpu.memory_space<semaphore_mem>>
      %dma_start3A_337 = arith.constant 0 : i32
      %dma_start3A_338 = tpu.memref_slice %arg4[%add3A_336, %dma_start3A_337] : memref<65536x128xf32, #tpu.memory_space<hbm>> -> memref<512x128xf32, #tpu.memory_space<hbm>>
      %dma_start3A_339 = arith.constant 0 : i32
      %dma_start3A_340 = tpu.memref_slice %arg4[%add3A_336, %dma_start3A_339] : memref<65536x128xf32, #tpu.memory_space<hbm>> -> memref<512x128xf32, #tpu.memory_space<hbm>>
      tpu.enqueue_dma source(%arg6 : memref<512x128xf32, #tpu.memory_space<vmem>>) target(%dma_start3A_340 : memref<512x128xf32, #tpu.memory_space<hbm>>) target_semaphore(%run_scoped3A : memref<!tpu.dma_semaphore, #tpu.memory_space<semaphore_mem>>)
      %dma_wait3A_341 = arith.constant 0 : i32
      %dma_wait3A_342 = tpu.memref_slice %arg4[%add3A_336, %dma_wait3A_341] : memref<65536x128xf32, #tpu.memory_space<hbm>> -> memref<512x128xf32, #tpu.memory_space<hbm>>
      %dma_wait3A_343 = arith.constant 0 : i32
      %dma_wait3A_344 = tpu.memref_slice %arg4[%add3A_336, %dma_wait3A_343] : memref<65536x128xf32, #tpu.memory_space<hbm>> -> memref<512x128xf32, #tpu.memory_space<hbm>>
      tpu.wait_dma2 semaphore(%run_scoped3A : memref<!tpu.dma_semaphore, #tpu.memory_space<semaphore_mem>>) src(%arg6 : memref<512x128xf32, #tpu.memory_space<vmem>>) dst(%dma_wait3A_344 : memref<512x128xf32, #tpu.memory_space<hbm>>)
      tpu.yield
    }) : () -> ()
    return
  }
}

module attributes {stable_mosaic.version = 14 : i64} {
  func.func @_fps_body(%arg0: memref<3x8x2048xf32, #tpu.memory_space<vmem>>, %arg1: memref<512x8x3xf32, #tpu.memory_space<vmem>>) attributes {dimension_semantics = [], scalar_prefetch = 0 : i64, scratch_operands = 0 : i64, tpu.core_type = #tpu.core_type<tc>} {
    %get3A = arith.constant 0 : index
    %get3A_0 = arith.constant 0 : index
    %get3A_1 = arith.constant 0 : index
    %get3A_2 = vector.load %arg0[%get3A, %get3A_0, %get3A_1] : memref<3x8x2048xf32, #tpu.memory_space<vmem>>, vector<1x8x2048xf32>
    %get3A_3 = vector.shape_cast %get3A_2 : vector<1x8x2048xf32> to vector<8x2048xf32>
    %get3A_4 = arith.constant 1 : index
    %get3A_5 = arith.constant 0 : index
    %get3A_6 = arith.constant 0 : index
    %get3A_7 = vector.load %arg0[%get3A_4, %get3A_5, %get3A_6] : memref<3x8x2048xf32, #tpu.memory_space<vmem>>, vector<1x8x2048xf32>
    %get3A_8 = vector.shape_cast %get3A_7 : vector<1x8x2048xf32> to vector<8x2048xf32>
    %get3A_9 = arith.constant 2 : index
    %get3A_10 = arith.constant 0 : index
    %get3A_11 = arith.constant 0 : index
    %get3A_12 = vector.load %arg0[%get3A_9, %get3A_10, %get3A_11] : memref<3x8x2048xf32, #tpu.memory_space<vmem>>, vector<1x8x2048xf32>
    %get3A_13 = vector.shape_cast %get3A_12 : vector<1x8x2048xf32> to vector<8x2048xf32>
    %iota3A = tpu.iota {dimensions = array<i32: 1>} : vector<8x2048xi32>
    %broadcast_in_dim3A = arith.constant 1.000000e+10 : f32
    %broadcast_in_dim3A_14 = vector.broadcast %broadcast_in_dim3A : f32 to vector<8x2048xf32>
    %broadcast_in_dim3A_15 = arith.constant 0 : i32
    %broadcast_in_dim3A_16 = vector.broadcast %broadcast_in_dim3A_15 : i32 to vector<8x1xi32>
    %scan3A = arith.constant -3.000000e+38 : f32
    %scan3A_17 = arith.constant 0 : i32
    %scan3A_18 = arith.constant 512 : i32
    %scan3A_19 = arith.addi %scan3A_17, %scan3A_18 : i32
    %scan3A_20 = arith.constant 1 : i32
    %scan3A_21:2 = scf.for %scan3A_23 = %scan3A_17 to %scan3A_19 step %scan3A_20 iter_args(%scan3A_24 = %broadcast_in_dim3A_14, %scan3A_25 = %broadcast_in_dim3A_16) -> (vector<8x2048xf32>, vector<8x1xi32>)  : i32 {
      %eq3A = vector.broadcast %scan3A_25 : vector<8x1xi32> to vector<8x2048xi32>
      %eq3A_26 = arith.cmpi eq, %iota3A, %eq3A : vector<8x2048xi32>
      %broadcast_in_dim3A_27 = vector.broadcast %scan3A : f32 to vector<8x2048xf32>
      %select_n3A = arith.select %eq3A_26, %get3A_3, %broadcast_in_dim3A_27 : vector<8x2048xi1>, vector<8x2048xf32>
      %reduce_max3A = arith.constant dense<0xFF800000> : vector<8xf32>
      %reduce_max3A_28 = vector.multi_reduction <maximumf>, %select_n3A, %reduce_max3A [1] : vector<8x2048xf32> to vector<8xf32>
      %broadcast_in_dim3A_29 = vector.shape_cast %reduce_max3A_28 : vector<8xf32> to vector<8x1xf32>
      %broadcast_in_dim3A_30 = vector.broadcast %scan3A : f32 to vector<8x2048xf32>
      %select_n3A_31 = arith.select %eq3A_26, %get3A_8, %broadcast_in_dim3A_30 : vector<8x2048xi1>, vector<8x2048xf32>
      %reduce_max3A_32 = arith.constant dense<0xFF800000> : vector<8xf32>
      %reduce_max3A_33 = vector.multi_reduction <maximumf>, %select_n3A_31, %reduce_max3A_32 [1] : vector<8x2048xf32> to vector<8xf32>
      %broadcast_in_dim3A_34 = vector.shape_cast %reduce_max3A_33 : vector<8xf32> to vector<8x1xf32>
      %broadcast_in_dim3A_35 = vector.broadcast %scan3A : f32 to vector<8x2048xf32>
      %select_n3A_36 = arith.select %eq3A_26, %get3A_13, %broadcast_in_dim3A_35 : vector<8x2048xi1>, vector<8x2048xf32>
      %reduce_max3A_37 = arith.constant dense<0xFF800000> : vector<8xf32>
      %reduce_max3A_38 = vector.multi_reduction <maximumf>, %select_n3A_36, %reduce_max3A_37 [1] : vector<8x2048xf32> to vector<8xf32>
      %broadcast_in_dim3A_39 = vector.shape_cast %reduce_max3A_38 : vector<8xf32> to vector<8x1xf32>
      %concatenate3A = tpu.concatenate %broadcast_in_dim3A_29, %broadcast_in_dim3A_34, %broadcast_in_dim3A_39 in 1 : vector<8x1xf32>, vector<8x1xf32>, vector<8x1xf32> -> vector<8x3xf32>
      %sub3A = vector.broadcast %broadcast_in_dim3A_29 : vector<8x1xf32> to vector<8x2048xf32>
      %sub3A_40 = arith.subf %get3A_3, %sub3A : vector<8x2048xf32>
      %integer_pow3A = arith.mulf %sub3A_40, %sub3A_40 : vector<8x2048xf32>
      %sub3A_41 = vector.broadcast %broadcast_in_dim3A_34 : vector<8x1xf32> to vector<8x2048xf32>
      %sub3A_42 = arith.subf %get3A_8, %sub3A_41 : vector<8x2048xf32>
      %integer_pow3A_43 = arith.mulf %sub3A_42, %sub3A_42 : vector<8x2048xf32>
      %add3A = arith.addf %integer_pow3A, %integer_pow3A_43 : vector<8x2048xf32>
      %sub3A_44 = vector.broadcast %broadcast_in_dim3A_39 : vector<8x1xf32> to vector<8x2048xf32>
      %sub3A_45 = arith.subf %get3A_13, %sub3A_44 : vector<8x2048xf32>
      %integer_pow3A_46 = arith.mulf %sub3A_45, %sub3A_45 : vector<8x2048xf32>
      %add3A_47 = arith.addf %add3A, %integer_pow3A_46 : vector<8x2048xf32>
      %min3A = arith.minimumf %scan3A_24, %add3A_47 : vector<8x2048xf32>
      %argmax3A = tpu.reduce_index %min3A {axis = 1 : i32, kind = #tpu.reduction_kind<arg_max>} : vector<8x2048xf32> -> vector<8xi32>
      %broadcast_in_dim3A_48 = vector.shape_cast %argmax3A : vector<8xi32> to vector<8x1xi32>
      %broadcast_in_dim3A_49 = vector.shape_cast %concatenate3A : vector<8x3xf32> to vector<1x8x3xf32>
      %swap3A = arith.index_cast %scan3A_23 : i32 to index
      %swap3A_50 = arith.constant 0 : index
      %swap3A_51 = arith.constant 0 : index
      %swap3A_52 = vector.load %arg1[%swap3A, %swap3A_50, %swap3A_51] : memref<512x8x3xf32, #tpu.memory_space<vmem>>, vector<1x8x3xf32>
      tpu.vector_store %arg1[%swap3A, %swap3A_50, %swap3A_51], %broadcast_in_dim3A_49 {strides = array<i32>} : memref<512x8x3xf32, #tpu.memory_space<vmem>>, vector<1x8x3xf32>,
      scf.yield %min3A, %broadcast_in_dim3A_48 : vector<8x2048xf32>, vector<8x1xi32>
    }
    %scan3A_22 = arith.constant 512 : i32
    return
  }
}

module attributes {stable_mosaic.version = 14 : i64} {
  func.func @_knn_body(%arg0: i32, %arg1: memref<1x512x3xf32, #tpu.memory_space<vmem>>, %arg2: memref<1x3x2048xf32, #tpu.memory_space<vmem>>, %arg3: memref<1x512x16xi32, #tpu.memory_space<vmem>>, %arg4: memref<512x2048xf32, #tpu.memory_space<vmem>>) attributes {dimension_semantics = [#tpu.dimension_semantics<arbitrary>], iteration_bounds = array<i64: 8>, scalar_prefetch = 0 : i64, scratch_operands = 1 : i64, tpu.core_type = #tpu.core_type<tc>, window_params = [{transform_indices = @transform_0, window_bounds = array<i64: 1, 512, 3>}, {transform_indices = @transform_1, window_bounds = array<i64: 1, 3, 2048>}, {transform_indices = @transform_2, window_bounds = array<i64: 1, 512, 16>}]} {
    %get3A = arith.constant 0 : index
    %get3A_0 = arith.constant 0 : index
    %get3A_1 = arith.constant 0 : index
    %get3A_2 = vector.load %arg1[%get3A, %get3A_0, %get3A_1] : memref<1x512x3xf32, #tpu.memory_space<vmem>>, vector<1x512x3xf32>
    %get3A_3 = vector.shape_cast %get3A_2 : vector<1x512x3xf32> to vector<512x3xf32>
    %get3A_4 = arith.constant 0 : index
    %get3A_5 = arith.constant 0 : index
    %get3A_6 = arith.constant 0 : index
    %get3A_7 = vector.load %arg2[%get3A_4, %get3A_5, %get3A_6] : memref<1x3x2048xf32, #tpu.memory_space<vmem>>, vector<1x3x2048xf32>
    %get3A_8 = vector.shape_cast %get3A_7 : vector<1x3x2048xf32> to vector<3x2048xf32>
    %dot_general3A = arith.constant dense<0.000000e+00> : vector<512x2048xf32>
    %dot_general3A_9 = tpu.matmul %get3A_3, %get3A_8, %dot_general3A {dimension_numbers = #tpu.dot_dimension_numbers<[1], [0], [0], [1], [0, 0, 1, 1], [], []>, transpose_lhs_hint = false} : vector<512x3xf32>, vector<3x2048xf32>, vector<512x2048xf32> -> vector<512x2048xf32>
    %mul3A = arith.mulf %get3A_3, %get3A_3 : vector<512x3xf32>
    %reduce_sum3A = arith.constant dense<0.000000e+00> : vector<512xf32>
    %reduce_sum3A_10 = vector.multi_reduction <add>, %mul3A, %reduce_sum3A [1] : vector<512x3xf32> to vector<512xf32>
    %broadcast_in_dim3A = vector.shape_cast %reduce_sum3A_10 : vector<512xf32> to vector<512x1xf32>
    %mul3A_11 = arith.mulf %get3A_8, %get3A_8 : vector<3x2048xf32>
    %reduce_sum3A_12 = arith.constant dense<0.000000e+00> : vector<2048xf32>
    %reduce_sum3A_13 = vector.multi_reduction <add>, %mul3A_11, %reduce_sum3A_12 [0] : vector<3x2048xf32> to vector<2048xf32>
    %broadcast_in_dim3A_14 = vector.shape_cast %reduce_sum3A_13 : vector<2048xf32> to vector<1x2048xf32>
    %mul3A_15 = arith.constant -2.000000e+00 : f32
    %mul3A_16 = vector.broadcast %mul3A_15 : f32 to vector<512x2048xf32>
    %mul3A_17 = arith.mulf %mul3A_16, %dot_general3A_9 : vector<512x2048xf32>
    %add3A = vector.broadcast %broadcast_in_dim3A : vector<512x1xf32> to vector<512x2048xf32>
    %add3A_18 = arith.addf %mul3A_17, %add3A : vector<512x2048xf32>
    %add3A_19 = vector.broadcast %broadcast_in_dim3A_14 : vector<1x2048xf32> to vector<512x2048xf32>
    %add3A_20 = arith.addf %add3A_18, %add3A_19 : vector<512x2048xf32>
    %swap3A = arith.constant 0 : index
    %swap3A_21 = arith.constant 0 : index
    %swap3A_22 = vector.load %arg4[%swap3A, %swap3A_21] : memref<512x2048xf32, #tpu.memory_space<vmem>>, vector<512x2048xf32>
    tpu.vector_store %arg4[%swap3A, %swap3A_21], %add3A_20 {strides = array<i32>} : memref<512x2048xf32, #tpu.memory_space<vmem>>, vector<512x2048xf32>,
    %iota3A = tpu.iota {dimensions = array<i32: 1>} : vector<512x2048xi32>
    %get3A_23 = arith.constant 0 : index
    %get3A_24 = arith.constant 0 : index
    %get3A_25 = vector.load %arg4[%get3A_23, %get3A_24] : memref<512x2048xf32, #tpu.memory_space<vmem>>, vector<512x2048xf32>
    %argmin3A = tpu.reduce_index %get3A_25 {axis = 1 : i32, kind = #tpu.reduction_kind<arg_min>} : vector<512x2048xf32> -> vector<512xi32>
    %broadcast_in_dim3A_26 = vector.shape_cast %argmin3A : vector<512xi32> to vector<512x1xi32>
    %eq3A = vector.broadcast %broadcast_in_dim3A_26 : vector<512x1xi32> to vector<512x2048xi32>
    %eq3A_27 = arith.cmpi eq, %iota3A, %eq3A : vector<512x2048xi32>
    %jit3A = arith.constant 3.000000e+38 : f32
    %broadcast_in_dim3A_28 = vector.broadcast %jit3A : f32 to vector<512x2048xf32>
    %select_n3A = arith.select %eq3A_27, %broadcast_in_dim3A_28, %get3A_25 : vector<512x2048xi1>, vector<512x2048xf32>
    %swap3A_29 = arith.constant 0 : index
    %swap3A_30 = arith.constant 0 : index
    %swap3A_31 = vector.load %arg4[%swap3A_29, %swap3A_30] : memref<512x2048xf32, #tpu.memory_space<vmem>>, vector<512x2048xf32>
    tpu.vector_store %arg4[%swap3A_29, %swap3A_30], %select_n3A {strides = array<i32>} : memref<512x2048xf32, #tpu.memory_space<vmem>>, vector<512x2048xf32>,
    %get3A_32 = arith.constant 0 : index
    %get3A_33 = arith.constant 0 : index
    %get3A_34 = vector.load %arg4[%get3A_32, %get3A_33] : memref<512x2048xf32, #tpu.memory_space<vmem>>, vector<512x2048xf32>
    %argmin3A_35 = tpu.reduce_index %get3A_34 {axis = 1 : i32, kind = #tpu.reduction_kind<arg_min>} : vector<512x2048xf32> -> vector<512xi32>
    %broadcast_in_dim3A_36 = vector.shape_cast %argmin3A_35 : vector<512xi32> to vector<512x1xi32>
    %eq3A_37 = vector.broadcast %broadcast_in_dim3A_36 : vector<512x1xi32> to vector<512x2048xi32>
    %eq3A_38 = arith.cmpi eq, %iota3A, %eq3A_37 : vector<512x2048xi32>
    %jit3A_39 = arith.constant 3.000000e+38 : f32
    %broadcast_in_dim3A_40 = vector.broadcast %jit3A_39 : f32 to vector<512x2048xf32>
    %select_n3A_41 = arith.select %eq3A_38, %broadcast_in_dim3A_40, %get3A_34 : vector<512x2048xi1>, vector<512x2048xf32>
    %swap3A_42 = arith.constant 0 : index
    %swap3A_43 = arith.constant 0 : index
    %swap3A_44 = vector.load %arg4[%swap3A_42, %swap3A_43] : memref<512x2048xf32, #tpu.memory_space<vmem>>, vector<512x2048xf32>
    tpu.vector_store %arg4[%swap3A_42, %swap3A_43], %select_n3A_41 {strides = array<i32>} : memref<512x2048xf32, #tpu.memory_space<vmem>>, vector<512x2048xf32>,
    %get3A_45 = arith.constant 0 : index
    %get3A_46 = arith.constant 0 : index
    %get3A_47 = vector.load %arg4[%get3A_45, %get3A_46] : memref<512x2048xf32, #tpu.memory_space<vmem>>, vector<512x2048xf32>
    %argmin3A_48 = tpu.reduce_index %get3A_47 {axis = 1 : i32, kind = #tpu.reduction_kind<arg_min>} : vector<512x2048xf32> -> vector<512xi32>
    %broadcast_in_dim3A_49 = vector.shape_cast %argmin3A_48 : vector<512xi32> to vector<512x1xi32>
    %eq3A_50 = vector.broadcast %broadcast_in_dim3A_49 : vector<512x1xi32> to vector<512x2048xi32>
    %eq3A_51 = arith.cmpi eq, %iota3A, %eq3A_50 : vector<512x2048xi32>
    %jit3A_52 = arith.constant 3.000000e+38 : f32
    %broadcast_in_dim3A_53 = vector.broadcast %jit3A_52 : f32 to vector<512x2048xf32>
    %select_n3A_54 = arith.select %eq3A_51, %broadcast_in_dim3A_53, %get3A_47 : vector<512x2048xi1>, vector<512x2048xf32>
    %swap3A_55 = arith.constant 0 : index
    %swap3A_56 = arith.constant 0 : index
    %swap3A_57 = vector.load %arg4[%swap3A_55, %swap3A_56] : memref<512x2048xf32, #tpu.memory_space<vmem>>, vector<512x2048xf32>
    tpu.vector_store %arg4[%swap3A_55, %swap3A_56], %select_n3A_54 {strides = array<i32>} : memref<512x2048xf32, #tpu.memory_space<vmem>>, vector<512x2048xf32>,
    %get3A_58 = arith.constant 0 : index
    %get3A_59 = arith.constant 0 : index
    %get3A_60 = vector.load %arg4[%get3A_58, %get3A_59] : memref<512x2048xf32, #tpu.memory_space<vmem>>, vector<512x2048xf32>
    %argmin3A_61 = tpu.reduce_index %get3A_60 {axis = 1 : i32, kind = #tpu.reduction_kind<arg_min>} : vector<512x2048xf32> -> vector<512xi32>
    %broadcast_in_dim3A_62 = vector.shape_cast %argmin3A_61 : vector<512xi32> to vector<512x1xi32>
    %eq3A_63 = vector.broadcast %broadcast_in_dim3A_62 : vector<512x1xi32> to vector<512x2048xi32>
    %eq3A_64 = arith.cmpi eq, %iota3A, %eq3A_63 : vector<512x2048xi32>
    %jit3A_65 = arith.constant 3.000000e+38 : f32
    %broadcast_in_dim3A_66 = vector.broadcast %jit3A_65 : f32 to vector<512x2048xf32>
    %select_n3A_67 = arith.select %eq3A_64, %broadcast_in_dim3A_66, %get3A_60 : vector<512x2048xi1>, vector<512x2048xf32>
    %swap3A_68 = arith.constant 0 : index
    %swap3A_69 = arith.constant 0 : index
    %swap3A_70 = vector.load %arg4[%swap3A_68, %swap3A_69] : memref<512x2048xf32, #tpu.memory_space<vmem>>, vector<512x2048xf32>
    tpu.vector_store %arg4[%swap3A_68, %swap3A_69], %select_n3A_67 {strides = array<i32>} : memref<512x2048xf32, #tpu.memory_space<vmem>>, vector<512x2048xf32>,
    %get3A_71 = arith.constant 0 : index
    %get3A_72 = arith.constant 0 : index
    %get3A_73 = vector.load %arg4[%get3A_71, %get3A_72] : memref<512x2048xf32, #tpu.memory_space<vmem>>, vector<512x2048xf32>
    %argmin3A_74 = tpu.reduce_index %get3A_73 {axis = 1 : i32, kind = #tpu.reduction_kind<arg_min>} : vector<512x2048xf32> -> vector<512xi32>
    %broadcast_in_dim3A_75 = vector.shape_cast %argmin3A_74 : vector<512xi32> to vector<512x1xi32>
    %eq3A_76 = vector.broadcast %broadcast_in_dim3A_75 : vector<512x1xi32> to vector<512x2048xi32>
    %eq3A_77 = arith.cmpi eq, %iota3A, %eq3A_76 : vector<512x2048xi32>
    %jit3A_78 = arith.constant 3.000000e+38 : f32
    %broadcast_in_dim3A_79 = vector.broadcast %jit3A_78 : f32 to vector<512x2048xf32>
    %select_n3A_80 = arith.select %eq3A_77, %broadcast_in_dim3A_79, %get3A_73 : vector<512x2048xi1>, vector<512x2048xf32>
    %swap3A_81 = arith.constant 0 : index
    %swap3A_82 = arith.constant 0 : index
    %swap3A_83 = vector.load %arg4[%swap3A_81, %swap3A_82] : memref<512x2048xf32, #tpu.memory_space<vmem>>, vector<512x2048xf32>
    tpu.vector_store %arg4[%swap3A_81, %swap3A_82], %select_n3A_80 {strides = array<i32>} : memref<512x2048xf32, #tpu.memory_space<vmem>>, vector<512x2048xf32>,
    %get3A_84 = arith.constant 0 : index
    %get3A_85 = arith.constant 0 : index
    %get3A_86 = vector.load %arg4[%get3A_84, %get3A_85] : memref<512x2048xf32, #tpu.memory_space<vmem>>, vector<512x2048xf32>
    %argmin3A_87 = tpu.reduce_index %get3A_86 {axis = 1 : i32, kind = #tpu.reduction_kind<arg_min>} : vector<512x2048xf32> -> vector<512xi32>
    %broadcast_in_dim3A_88 = vector.shape_cast %argmin3A_87 : vector<512xi32> to vector<512x1xi32>
    %eq3A_89 = vector.broadcast %broadcast_in_dim3A_88 : vector<512x1xi32> to vector<512x2048xi32>
    %eq3A_90 = arith.cmpi eq, %iota3A, %eq3A_89 : vector<512x2048xi32>
    %jit3A_91 = arith.constant 3.000000e+38 : f32
    %broadcast_in_dim3A_92 = vector.broadcast %jit3A_91 : f32 to vector<512x2048xf32>
    %select_n3A_93 = arith.select %eq3A_90, %broadcast_in_dim3A_92, %get3A_86 : vector<512x2048xi1>, vector<512x2048xf32>
    %swap3A_94 = arith.constant 0 : index
    %swap3A_95 = arith.constant 0 : index
    %swap3A_96 = vector.load %arg4[%swap3A_94, %swap3A_95] : memref<512x2048xf32, #tpu.memory_space<vmem>>, vector<512x2048xf32>
    tpu.vector_store %arg4[%swap3A_94, %swap3A_95], %select_n3A_93 {strides = array<i32>} : memref<512x2048xf32, #tpu.memory_space<vmem>>, vector<512x2048xf32>,
    %get3A_97 = arith.constant 0 : index
    %get3A_98 = arith.constant 0 : index
    %get3A_99 = vector.load %arg4[%get3A_97, %get3A_98] : memref<512x2048xf32, #tpu.memory_space<vmem>>, vector<512x2048xf32>
    %argmin3A_100 = tpu.reduce_index %get3A_99 {axis = 1 : i32, kind = #tpu.reduction_kind<arg_min>} : vector<512x2048xf32> -> vector<512xi32>
    %broadcast_in_dim3A_101 = vector.shape_cast %argmin3A_100 : vector<512xi32> to vector<512x1xi32>
    %eq3A_102 = vector.broadcast %broadcast_in_dim3A_101 : vector<512x1xi32> to vector<512x2048xi32>
    %eq3A_103 = arith.cmpi eq, %iota3A, %eq3A_102 : vector<512x2048xi32>
    %jit3A_104 = arith.constant 3.000000e+38 : f32
    %broadcast_in_dim3A_105 = vector.broadcast %jit3A_104 : f32 to vector<512x2048xf32>
    %select_n3A_106 = arith.select %eq3A_103, %broadcast_in_dim3A_105, %get3A_99 : vector<512x2048xi1>, vector<512x2048xf32>
    %swap3A_107 = arith.constant 0 : index
    %swap3A_108 = arith.constant 0 : index
    %swap3A_109 = vector.load %arg4[%swap3A_107, %swap3A_108] : memref<512x2048xf32, #tpu.memory_space<vmem>>, vector<512x2048xf32>
    tpu.vector_store %arg4[%swap3A_107, %swap3A_108], %select_n3A_106 {strides = array<i32>} : memref<512x2048xf32, #tpu.memory_space<vmem>>, vector<512x2048xf32>,
    %get3A_110 = arith.constant 0 : index
    %get3A_111 = arith.constant 0 : index
    %get3A_112 = vector.load %arg4[%get3A_110, %get3A_111] : memref<512x2048xf32, #tpu.memory_space<vmem>>, vector<512x2048xf32>
    %argmin3A_113 = tpu.reduce_index %get3A_112 {axis = 1 : i32, kind = #tpu.reduction_kind<arg_min>} : vector<512x2048xf32> -> vector<512xi32>
    %broadcast_in_dim3A_114 = vector.shape_cast %argmin3A_113 : vector<512xi32> to vector<512x1xi32>
    %eq3A_115 = vector.broadcast %broadcast_in_dim3A_114 : vector<512x1xi32> to vector<512x2048xi32>
    %eq3A_116 = arith.cmpi eq, %iota3A, %eq3A_115 : vector<512x2048xi32>
    %jit3A_117 = arith.constant 3.000000e+38 : f32
    %broadcast_in_dim3A_118 = vector.broadcast %jit3A_117 : f32 to vector<512x2048xf32>
    %select_n3A_119 = arith.select %eq3A_116, %broadcast_in_dim3A_118, %get3A_112 : vector<512x2048xi1>, vector<512x2048xf32>
    %swap3A_120 = arith.constant 0 : index
    %swap3A_121 = arith.constant 0 : index
    %swap3A_122 = vector.load %arg4[%swap3A_120, %swap3A_121] : memref<512x2048xf32, #tpu.memory_space<vmem>>, vector<512x2048xf32>
    tpu.vector_store %arg4[%swap3A_120, %swap3A_121], %select_n3A_119 {strides = array<i32>} : memref<512x2048xf32, #tpu.memory_space<vmem>>, vector<512x2048xf32>,
    %get3A_123 = arith.constant 0 : index
    %get3A_124 = arith.constant 0 : index
    %get3A_125 = vector.load %arg4[%get3A_123, %get3A_124] : memref<512x2048xf32, #tpu.memory_space<vmem>>, vector<512x2048xf32>
    %argmin3A_126 = tpu.reduce_index %get3A_125 {axis = 1 : i32, kind = #tpu.reduction_kind<arg_min>} : vector<512x2048xf32> -> vector<512xi32>
    %broadcast_in_dim3A_127 = vector.shape_cast %argmin3A_126 : vector<512xi32> to vector<512x1xi32>
    %eq3A_128 = vector.broadcast %broadcast_in_dim3A_127 : vector<512x1xi32> to vector<512x2048xi32>
    %eq3A_129 = arith.cmpi eq, %iota3A, %eq3A_128 : vector<512x2048xi32>
    %jit3A_130 = arith.constant 3.000000e+38 : f32
    %broadcast_in_dim3A_131 = vector.broadcast %jit3A_130 : f32 to vector<512x2048xf32>
    %select_n3A_132 = arith.select %eq3A_129, %broadcast_in_dim3A_131, %get3A_125 : vector<512x2048xi1>, vector<512x2048xf32>
    %swap3A_133 = arith.constant 0 : index
    %swap3A_134 = arith.constant 0 : index
    %swap3A_135 = vector.load %arg4[%swap3A_133, %swap3A_134] : memref<512x2048xf32, #tpu.memory_space<vmem>>, vector<512x2048xf32>
    tpu.vector_store %arg4[%swap3A_133, %swap3A_134], %select_n3A_132 {strides = array<i32>} : memref<512x2048xf32, #tpu.memory_space<vmem>>, vector<512x2048xf32>,
    %get3A_136 = arith.constant 0 : index
    %get3A_137 = arith.constant 0 : index
    %get3A_138 = vector.load %arg4[%get3A_136, %get3A_137] : memref<512x2048xf32, #tpu.memory_space<vmem>>, vector<512x2048xf32>
    %argmin3A_139 = tpu.reduce_index %get3A_138 {axis = 1 : i32, kind = #tpu.reduction_kind<arg_min>} : vector<512x2048xf32> -> vector<512xi32>
    %broadcast_in_dim3A_140 = vector.shape_cast %argmin3A_139 : vector<512xi32> to vector<512x1xi32>
    %eq3A_141 = vector.broadcast %broadcast_in_dim3A_140 : vector<512x1xi32> to vector<512x2048xi32>
    %eq3A_142 = arith.cmpi eq, %iota3A, %eq3A_141 : vector<512x2048xi32>
    %jit3A_143 = arith.constant 3.000000e+38 : f32
    %broadcast_in_dim3A_144 = vector.broadcast %jit3A_143 : f32 to vector<512x2048xf32>
    %select_n3A_145 = arith.select %eq3A_142, %broadcast_in_dim3A_144, %get3A_138 : vector<512x2048xi1>, vector<512x2048xf32>
    %swap3A_146 = arith.constant 0 : index
    %swap3A_147 = arith.constant 0 : index
    %swap3A_148 = vector.load %arg4[%swap3A_146, %swap3A_147] : memref<512x2048xf32, #tpu.memory_space<vmem>>, vector<512x2048xf32>
    tpu.vector_store %arg4[%swap3A_146, %swap3A_147], %select_n3A_145 {strides = array<i32>} : memref<512x2048xf32, #tpu.memory_space<vmem>>, vector<512x2048xf32>,
    %get3A_149 = arith.constant 0 : index
    %get3A_150 = arith.constant 0 : index
    %get3A_151 = vector.load %arg4[%get3A_149, %get3A_150] : memref<512x2048xf32, #tpu.memory_space<vmem>>, vector<512x2048xf32>
    %argmin3A_152 = tpu.reduce_index %get3A_151 {axis = 1 : i32, kind = #tpu.reduction_kind<arg_min>} : vector<512x2048xf32> -> vector<512xi32>
    %broadcast_in_dim3A_153 = vector.shape_cast %argmin3A_152 : vector<512xi32> to vector<512x1xi32>
    %eq3A_154 = vector.broadcast %broadcast_in_dim3A_153 : vector<512x1xi32> to vector<512x2048xi32>
    %eq3A_155 = arith.cmpi eq, %iota3A, %eq3A_154 : vector<512x2048xi32>
    %jit3A_156 = arith.constant 3.000000e+38 : f32
    %broadcast_in_dim3A_157 = vector.broadcast %jit3A_156 : f32 to vector<512x2048xf32>
    %select_n3A_158 = arith.select %eq3A_155, %broadcast_in_dim3A_157, %get3A_151 : vector<512x2048xi1>, vector<512x2048xf32>
    %swap3A_159 = arith.constant 0 : index
    %swap3A_160 = arith.constant 0 : index
    %swap3A_161 = vector.load %arg4[%swap3A_159, %swap3A_160] : memref<512x2048xf32, #tpu.memory_space<vmem>>, vector<512x2048xf32>
    tpu.vector_store %arg4[%swap3A_159, %swap3A_160], %select_n3A_158 {strides = array<i32>} : memref<512x2048xf32, #tpu.memory_space<vmem>>, vector<512x2048xf32>,
    %get3A_162 = arith.constant 0 : index
    %get3A_163 = arith.constant 0 : index
    %get3A_164 = vector.load %arg4[%get3A_162, %get3A_163] : memref<512x2048xf32, #tpu.memory_space<vmem>>, vector<512x2048xf32>
    %argmin3A_165 = tpu.reduce_index %get3A_164 {axis = 1 : i32, kind = #tpu.reduction_kind<arg_min>} : vector<512x2048xf32> -> vector<512xi32>
    %broadcast_in_dim3A_166 = vector.shape_cast %argmin3A_165 : vector<512xi32> to vector<512x1xi32>
    %eq3A_167 = vector.broadcast %broadcast_in_dim3A_166 : vector<512x1xi32> to vector<512x2048xi32>
    %eq3A_168 = arith.cmpi eq, %iota3A, %eq3A_167 : vector<512x2048xi32>
    %jit3A_169 = arith.constant 3.000000e+38 : f32
    %broadcast_in_dim3A_170 = vector.broadcast %jit3A_169 : f32 to vector<512x2048xf32>
    %select_n3A_171 = arith.select %eq3A_168, %broadcast_in_dim3A_170, %get3A_164 : vector<512x2048xi1>, vector<512x2048xf32>
    %swap3A_172 = arith.constant 0 : index
    %swap3A_173 = arith.constant 0 : index
    %swap3A_174 = vector.load %arg4[%swap3A_172, %swap3A_173] : memref<512x2048xf32, #tpu.memory_space<vmem>>, vector<512x2048xf32>
    tpu.vector_store %arg4[%swap3A_172, %swap3A_173], %select_n3A_171 {strides = array<i32>} : memref<512x2048xf32, #tpu.memory_space<vmem>>, vector<512x2048xf32>,
    %get3A_175 = arith.constant 0 : index
    %get3A_176 = arith.constant 0 : index
    %get3A_177 = vector.load %arg4[%get3A_175, %get3A_176] : memref<512x2048xf32, #tpu.memory_space<vmem>>, vector<512x2048xf32>
    %argmin3A_178 = tpu.reduce_index %get3A_177 {axis = 1 : i32, kind = #tpu.reduction_kind<arg_min>} : vector<512x2048xf32> -> vector<512xi32>
    %broadcast_in_dim3A_179 = vector.shape_cast %argmin3A_178 : vector<512xi32> to vector<512x1xi32>
    %eq3A_180 = vector.broadcast %broadcast_in_dim3A_179 : vector<512x1xi32> to vector<512x2048xi32>
    %eq3A_181 = arith.cmpi eq, %iota3A, %eq3A_180 : vector<512x2048xi32>
    %jit3A_182 = arith.constant 3.000000e+38 : f32
    %broadcast_in_dim3A_183 = vector.broadcast %jit3A_182 : f32 to vector<512x2048xf32>
    %select_n3A_184 = arith.select %eq3A_181, %broadcast_in_dim3A_183, %get3A_177 : vector<512x2048xi1>, vector<512x2048xf32>
    %swap3A_185 = arith.constant 0 : index
    %swap3A_186 = arith.constant 0 : index
    %swap3A_187 = vector.load %arg4[%swap3A_185, %swap3A_186] : memref<512x2048xf32, #tpu.memory_space<vmem>>, vector<512x2048xf32>
    tpu.vector_store %arg4[%swap3A_185, %swap3A_186], %select_n3A_184 {strides = array<i32>} : memref<512x2048xf32, #tpu.memory_space<vmem>>, vector<512x2048xf32>,
    %get3A_188 = arith.constant 0 : index
    %get3A_189 = arith.constant 0 : index
    %get3A_190 = vector.load %arg4[%get3A_188, %get3A_189] : memref<512x2048xf32, #tpu.memory_space<vmem>>, vector<512x2048xf32>
    %argmin3A_191 = tpu.reduce_index %get3A_190 {axis = 1 : i32, kind = #tpu.reduction_kind<arg_min>} : vector<512x2048xf32> -> vector<512xi32>
    %broadcast_in_dim3A_192 = vector.shape_cast %argmin3A_191 : vector<512xi32> to vector<512x1xi32>
    %eq3A_193 = vector.broadcast %broadcast_in_dim3A_192 : vector<512x1xi32> to vector<512x2048xi32>
    %eq3A_194 = arith.cmpi eq, %iota3A, %eq3A_193 : vector<512x2048xi32>
    %jit3A_195 = arith.constant 3.000000e+38 : f32
    %broadcast_in_dim3A_196 = vector.broadcast %jit3A_195 : f32 to vector<512x2048xf32>
    %select_n3A_197 = arith.select %eq3A_194, %broadcast_in_dim3A_196, %get3A_190 : vector<512x2048xi1>, vector<512x2048xf32>
    %swap3A_198 = arith.constant 0 : index
    %swap3A_199 = arith.constant 0 : index
    %swap3A_200 = vector.load %arg4[%swap3A_198, %swap3A_199] : memref<512x2048xf32, #tpu.memory_space<vmem>>, vector<512x2048xf32>
    tpu.vector_store %arg4[%swap3A_198, %swap3A_199], %select_n3A_197 {strides = array<i32>} : memref<512x2048xf32, #tpu.memory_space<vmem>>, vector<512x2048xf32>,
    %get3A_201 = arith.constant 0 : index
    %get3A_202 = arith.constant 0 : index
    %get3A_203 = vector.load %arg4[%get3A_201, %get3A_202] : memref<512x2048xf32, #tpu.memory_space<vmem>>, vector<512x2048xf32>
    %argmin3A_204 = tpu.reduce_index %get3A_203 {axis = 1 : i32, kind = #tpu.reduction_kind<arg_min>} : vector<512x2048xf32> -> vector<512xi32>
    %broadcast_in_dim3A_205 = vector.shape_cast %argmin3A_204 : vector<512xi32> to vector<512x1xi32>
    %eq3A_206 = vector.broadcast %broadcast_in_dim3A_205 : vector<512x1xi32> to vector<512x2048xi32>
    %eq3A_207 = arith.cmpi eq, %iota3A, %eq3A_206 : vector<512x2048xi32>
    %jit3A_208 = arith.constant 3.000000e+38 : f32
    %broadcast_in_dim3A_209 = vector.broadcast %jit3A_208 : f32 to vector<512x2048xf32>
    %select_n3A_210 = arith.select %eq3A_207, %broadcast_in_dim3A_209, %get3A_203 : vector<512x2048xi1>, vector<512x2048xf32>
    %swap3A_211 = arith.constant 0 : index
    %swap3A_212 = arith.constant 0 : index
    %swap3A_213 = vector.load %arg4[%swap3A_211, %swap3A_212] : memref<512x2048xf32, #tpu.memory_space<vmem>>, vector<512x2048xf32>
    tpu.vector_store %arg4[%swap3A_211, %swap3A_212], %select_n3A_210 {strides = array<i32>} : memref<512x2048xf32, #tpu.memory_space<vmem>>, vector<512x2048xf32>,
    %get3A_214 = arith.constant 0 : index
    %get3A_215 = arith.constant 0 : index
    %get3A_216 = vector.load %arg4[%get3A_214, %get3A_215] : memref<512x2048xf32, #tpu.memory_space<vmem>>, vector<512x2048xf32>
    %argmin3A_217 = tpu.reduce_index %get3A_216 {axis = 1 : i32, kind = #tpu.reduction_kind<arg_min>} : vector<512x2048xf32> -> vector<512xi32>
    %broadcast_in_dim3A_218 = vector.shape_cast %argmin3A_217 : vector<512xi32> to vector<512x1xi32>
    %eq3A_219 = vector.broadcast %broadcast_in_dim3A_218 : vector<512x1xi32> to vector<512x2048xi32>
    %eq3A_220 = arith.cmpi eq, %iota3A, %eq3A_219 : vector<512x2048xi32>
    %jit3A_221 = arith.constant 3.000000e+38 : f32
    %broadcast_in_dim3A_222 = vector.broadcast %jit3A_221 : f32 to vector<512x2048xf32>
    %select_n3A_223 = arith.select %eq3A_220, %broadcast_in_dim3A_222, %get3A_216 : vector<512x2048xi1>, vector<512x2048xf32>
    %swap3A_224 = arith.constant 0 : index
    %swap3A_225 = arith.constant 0 : index
    %swap3A_226 = vector.load %arg4[%swap3A_224, %swap3A_225] : memref<512x2048xf32, #tpu.memory_space<vmem>>, vector<512x2048xf32>
    tpu.vector_store %arg4[%swap3A_224, %swap3A_225], %select_n3A_223 {strides = array<i32>} : memref<512x2048xf32, #tpu.memory_space<vmem>>, vector<512x2048xf32>,
    %concatenate3A = tpu.concatenate %broadcast_in_dim3A_26, %broadcast_in_dim3A_36, %broadcast_in_dim3A_49, %broadcast_in_dim3A_62, %broadcast_in_dim3A_75, %broadcast_in_dim3A_88, %broadcast_in_dim3A_101, %broadcast_in_dim3A_114, %broadcast_in_dim3A_127, %broadcast_in_dim3A_140, %broadcast_in_dim3A_153, %broadcast_in_dim3A_166, %broadcast_in_dim3A_179, %broadcast_in_dim3A_192, %broadcast_in_dim3A_205, %broadcast_in_dim3A_218 in 1 : vector<512x1xi32>, vector<512x1xi32>, vector<512x1xi32>, vector<512x1xi32>, vector<512x1xi32>, vector<512x1xi32>, vector<512x1xi32>, vector<512x1xi32>, vector<512x1xi32>, vector<512x1xi32>, vector<512x1xi32>, vector<512x1xi32>, vector<512x1xi32>, vector<512x1xi32>, vector<512x1xi32>, vector<512x1xi32> -> vector<512x16xi32>
    %mul3A_227 = arith.constant 2048 : i32
    %mul3A_228 = arith.muli %arg0, %mul3A_227 : i32
    %add3A_229 = vector.broadcast %mul3A_228 : i32 to vector<512x16xi32>
    %add3A_230 = arith.addi %concatenate3A, %add3A_229 : vector<512x16xi32>
    %swap3A_231 = arith.constant 0 : index
    %swap3A_232 = arith.constant 0 : index
    %swap3A_233 = arith.constant 0 : index
    %swap3A_234 = vector.load %arg3[%swap3A_231, %swap3A_232, %swap3A_233] : memref<1x512x16xi32, #tpu.memory_space<vmem>>, vector<1x512x16xi32>
    %swap3A_235 = vector.shape_cast %swap3A_234 : vector<1x512x16xi32> to vector<512x16xi32>
    %swap3A_236 = vector.shape_cast %add3A_230 : vector<512x16xi32> to vector<1x512x16xi32>
    tpu.vector_store %arg3[%swap3A_231, %swap3A_232, %swap3A_233], %swap3A_236 {strides = array<i32>} : memref<1x512x16xi32, #tpu.memory_space<vmem>>, vector<1x512x16xi32>,
    return
  }
  func.func @transform_0(%arg0: i32) -> (i32, i32, i32) {
    %c0_i32 = arith.constant 0 : i32
    %c0_i32_0 = arith.constant 0 : i32
    %c0_i32_1 = arith.constant 0 : i32
    return %arg0, %c0_i32, %c0_i32_0 : i32, i32, i32
  }
  func.func @transform_1(%arg0: i32) -> (i32, i32, i32) {
    %c0_i32 = arith.constant 0 : i32
    %c0_i32_0 = arith.constant 0 : i32
    %c0_i32_1 = arith.constant 0 : i32
    return %arg0, %c0_i32, %c0_i32_0 : i32, i32, i32
  }
  func.func @transform_2(%arg0: i32) -> (i32, i32, i32) {
    %c0_i32 = arith.constant 0 : i32
    %c0_i32_0 = arith.constant 0 : i32
    %c0_i32_1 = arith.constant 0 : i32
    return %arg0, %c0_i32, %c0_i32_0 : i32, i32, i32
  }
}

module attributes {stable_mosaic.version = 14 : i64} {
  func.func @_mlp_a_body(%arg0: i32, %arg1: memref<8192x128xf32, #tpu.memory_space<vmem>>, %arg2: memref<512x128xf32, #tpu.memory_space<vmem>>, %arg3: memref<128x64xf32, #tpu.memory_space<vmem>>, %arg4: memref<1x64xf32, #tpu.memory_space<vmem>>, %arg5: memref<8192x64xf32, #tpu.memory_space<vmem>>, %arg6: memref<1x64xf32, #tpu.memory_space<vmem>>, %arg7: memref<1x64xf32, #tpu.memory_space<vmem>>) attributes {dimension_semantics = [#tpu.dimension_semantics<arbitrary>], iteration_bounds = array<i64: 8>, scalar_prefetch = 0 : i64, scratch_operands = 0 : i64, tpu.core_type = #tpu.core_type<tc>, window_params = [{transform_indices = @transform_0, window_bounds = array<i64: 8192, 128>}, {transform_indices = @transform_1, window_bounds = array<i64: 512, 128>}, {pipeline_mode = #tpu.pipeline_mode<synchronous>, transform_indices = @transform_2, window_bounds = array<i64: 128, 64>}, {pipeline_mode = #tpu.pipeline_mode<synchronous>, transform_indices = @transform_3, window_bounds = array<i64: 1, 64>}, {transform_indices = @transform_4, window_bounds = array<i64: 8192, 64>}, {pipeline_mode = #tpu.pipeline_mode<synchronous>, transform_indices = @transform_5, window_bounds = array<i64: 1, 64>}, {pipeline_mode = #tpu.pipeline_mode<synchronous>, transform_indices = @transform_6, window_bounds = array<i64: 1, 64>}]} {
    %get3A = arith.constant 0 : index
    %get3A_0 = arith.constant 0 : index
    %get3A_1 = vector.load %arg1[%get3A, %get3A_0] : memref<8192x128xf32, #tpu.memory_space<vmem>>, vector<8192x128xf32>
    %get3A_2 = arith.constant 0 : index
    %get3A_3 = arith.constant 0 : index
    %get3A_4 = vector.load %arg2[%get3A_2, %get3A_3] : memref<512x128xf32, #tpu.memory_space<vmem>>, vector<512x128xf32>
    %reshape3A = vector.shape_cast %get3A_1 : vector<8192x128xf32> to vector<512x16x128xf32>
    %broadcast_in_dim3A = vector.shape_cast %get3A_4 : vector<512x128xf32> to vector<512x1x128xf32>
    %sub3A = vector.broadcast %broadcast_in_dim3A : vector<512x1x128xf32> to vector<512x16x128xf32>
    %sub3A_5 = arith.subf %reshape3A, %sub3A : vector<512x16x128xf32>
    %reshape3A_6 = vector.shape_cast %sub3A_5 : vector<512x16x128xf32> to vector<8192x128xf32>
    %get3A_7 = arith.constant 0 : index
    %get3A_8 = arith.constant 0 : index
    %get3A_9 = vector.load %arg3[%get3A_7, %get3A_8] : memref<128x64xf32, #tpu.memory_space<vmem>>, vector<128x64xf32>
    %dot_general3A = arith.constant dense<0.000000e+00> : vector<8192x64xf32>
    %dot_general3A_10 = tpu.matmul %reshape3A_6, %get3A_9, %dot_general3A {dimension_numbers = #tpu.dot_dimension_numbers<[1], [0], [0], [1], [0, 0, 1, 1], [], []>, transpose_lhs_hint = false} : vector<8192x128xf32>, vector<128x64xf32>, vector<8192x64xf32> -> vector<8192x64xf32>
    %get3A_11 = arith.constant 0 : index
    %get3A_12 = arith.constant 0 : index
    %get3A_13 = vector.load %arg4[%get3A_11, %get3A_12] : memref<1x64xf32, #tpu.memory_space<vmem>>, vector<1x64xf32>
    %add3A = vector.broadcast %get3A_13 : vector<1x64xf32> to vector<8192x64xf32>
    %add3A_14 = arith.addf %dot_general3A_10, %add3A : vector<8192x64xf32>
    %swap3A = arith.constant 0 : index
    %swap3A_15 = arith.constant 0 : index
    %swap3A_16 = vector.load %arg5[%swap3A, %swap3A_15] : memref<8192x64xf32, #tpu.memory_space<vmem>>, vector<8192x64xf32>
    tpu.vector_store %arg5[%swap3A, %swap3A_15], %add3A_14 {strides = array<i32>} : memref<8192x64xf32, #tpu.memory_space<vmem>>, vector<8192x64xf32>,
    %eq3A = arith.constant 0 : i32
    %eq3A_17 = arith.cmpi eq, %arg0, %eq3A : i32
    %convert_element_type3A = arith.extui %eq3A_17 : i1 to i32
    %cond3A = arith.constant 0 : i32
    %cond3A_18 = arith.cmpi ne, %convert_element_type3A, %cond3A : i32
    scf.if %cond3A_18 {
      %broadcast_in_dim3A_38 = arith.constant 0.000000e+00 : f32
      %broadcast_in_dim3A_39 = vector.broadcast %broadcast_in_dim3A_38 : f32 to vector<1x64xf32>
      %swap3A_40 = arith.constant 0 : index
      %swap3A_41 = arith.constant 0 : index
      %swap3A_42 = vector.load %arg6[%swap3A_40, %swap3A_41] : memref<1x64xf32, #tpu.memory_space<vmem>>, vector<1x64xf32>
      tpu.vector_store %arg6[%swap3A_40, %swap3A_41], %broadcast_in_dim3A_39 {strides = array<i32>} : memref<1x64xf32, #tpu.memory_space<vmem>>, vector<1x64xf32>,
      %broadcast_in_dim3A_43 = arith.constant 0.000000e+00 : f32
      %broadcast_in_dim3A_44 = vector.broadcast %broadcast_in_dim3A_43 : f32 to vector<1x64xf32>
      %swap3A_45 = arith.constant 0 : index
      %swap3A_46 = arith.constant 0 : index
      %swap3A_47 = vector.load %arg7[%swap3A_45, %swap3A_46] : memref<1x64xf32, #tpu.memory_space<vmem>>, vector<1x64xf32>
      tpu.vector_store %arg7[%swap3A_45, %swap3A_46], %broadcast_in_dim3A_44 {strides = array<i32>} : memref<1x64xf32, #tpu.memory_space<vmem>>, vector<1x64xf32>,
    } else {
    }
    %get3A_19 = arith.constant 0 : index
    %get3A_20 = arith.constant 0 : index
    %get3A_21 = vector.load %arg6[%get3A_19, %get3A_20] : memref<1x64xf32, #tpu.memory_space<vmem>>, vector<1x64xf32>
    %reduce_sum3A = arith.constant dense<0.000000e+00> : vector<64xf32>
    %reduce_sum3A_22 = vector.multi_reduction <add>, %add3A_14, %reduce_sum3A [0] : vector<8192x64xf32> to vector<64xf32>
    %broadcast_in_dim3A_23 = vector.shape_cast %reduce_sum3A_22 : vector<64xf32> to vector<1x64xf32>
    %add3A_24 = arith.addf %get3A_21, %broadcast_in_dim3A_23 : vector<1x64xf32>
    %swap3A_25 = arith.constant 0 : index
    %swap3A_26 = arith.constant 0 : index
    %swap3A_27 = vector.load %arg6[%swap3A_25, %swap3A_26] : memref<1x64xf32, #tpu.memory_space<vmem>>, vector<1x64xf32>
    tpu.vector_store %arg6[%swap3A_25, %swap3A_26], %add3A_24 {strides = array<i32>} : memref<1x64xf32, #tpu.memory_space<vmem>>, vector<1x64xf32>,
    %get3A_28 = arith.constant 0 : index
    %get3A_29 = arith.constant 0 : index
    %get3A_30 = vector.load %arg7[%get3A_28, %get3A_29] : memref<1x64xf32, #tpu.memory_space<vmem>>, vector<1x64xf32>
    %mul3A = arith.mulf %add3A_14, %add3A_14 : vector<8192x64xf32>
    %reduce_sum3A_31 = arith.constant dense<0.000000e+00> : vector<64xf32>
    %reduce_sum3A_32 = vector.multi_reduction <add>, %mul3A, %reduce_sum3A_31 [0] : vector<8192x64xf32> to vector<64xf32>
    %broadcast_in_dim3A_33 = vector.shape_cast %reduce_sum3A_32 : vector<64xf32> to vector<1x64xf32>
    %add3A_34 = arith.addf %get3A_30, %broadcast_in_dim3A_33 : vector<1x64xf32>
    %swap3A_35 = arith.constant 0 : index
    %swap3A_36 = arith.constant 0 : index
    %swap3A_37 = vector.load %arg7[%swap3A_35, %swap3A_36] : memref<1x64xf32, #tpu.memory_space<vmem>>, vector<1x64xf32>
    tpu.vector_store %arg7[%swap3A_35, %swap3A_36], %add3A_34 {strides = array<i32>} : memref<1x64xf32, #tpu.memory_space<vmem>>, vector<1x64xf32>,
    return
  }
  func.func @transform_0(%arg0: i32) -> (i32, i32) {
    %c0_i32 = arith.constant 0 : i32
    %c0_i32_0 = arith.constant 0 : i32
    return %arg0, %c0_i32 : i32, i32
  }
  func.func @transform_1(%arg0: i32) -> (i32, i32) {
    %c0_i32 = arith.constant 0 : i32
    %c0_i32_0 = arith.constant 0 : i32
    return %arg0, %c0_i32 : i32, i32
  }
  func.func @transform_2(%arg0: i32) -> (i32, i32) {
    %c0_i32 = arith.constant 0 : i32
    %c0_i32_0 = arith.constant 0 : i32
    %c0_i32_1 = arith.constant 0 : i32
    return %c0_i32, %c0_i32_0 : i32, i32
  }
  func.func @transform_3(%arg0: i32) -> (i32, i32) {
    %c0_i32 = arith.constant 0 : i32
    %c0_i32_0 = arith.constant 0 : i32
    %c0_i32_1 = arith.constant 0 : i32
    return %c0_i32, %c0_i32_0 : i32, i32
  }
  func.func @transform_4(%arg0: i32) -> (i32, i32) {
    %c0_i32 = arith.constant 0 : i32
    %c0_i32_0 = arith.constant 0 : i32
    return %arg0, %c0_i32 : i32, i32
  }
  func.func @transform_5(%arg0: i32) -> (i32, i32) {
    %c0_i32 = arith.constant 0 : i32
    %c0_i32_0 = arith.constant 0 : i32
    %c0_i32_1 = arith.constant 0 : i32
    return %c0_i32, %c0_i32_0 : i32, i32
  }
  func.func @transform_6(%arg0: i32) -> (i32, i32) {
    %c0_i32 = arith.constant 0 : i32
    %c0_i32_0 = arith.constant 0 : i32
    %c0_i32_1 = arith.constant 0 : i32
    return %c0_i32, %c0_i32_0 : i32, i32
  }
}

module attributes {stable_mosaic.version = 14 : i64} {
  func.func @_mlp_b_body(%arg0: i32, %arg1: memref<8192x64xf32, #tpu.memory_space<vmem>>, %arg2: memref<1x64xf32, #tpu.memory_space<vmem>>, %arg3: memref<1x64xf32, #tpu.memory_space<vmem>>, %arg4: memref<1x64xf32, #tpu.memory_space<vmem>>, %arg5: memref<1x64xf32, #tpu.memory_space<vmem>>, %arg6: memref<64x64xf32, #tpu.memory_space<vmem>>, %arg7: memref<1x64xf32, #tpu.memory_space<vmem>>, %arg8: memref<8192x64xf32, #tpu.memory_space<vmem>>, %arg9: memref<1x64xf32, #tpu.memory_space<vmem>>, %arg10: memref<1x64xf32, #tpu.memory_space<vmem>>) attributes {dimension_semantics = [#tpu.dimension_semantics<arbitrary>], iteration_bounds = array<i64: 8>, scalar_prefetch = 0 : i64, scratch_operands = 0 : i64, tpu.core_type = #tpu.core_type<tc>, window_params = [{transform_indices = @transform_0, window_bounds = array<i64: 8192, 64>}, {pipeline_mode = #tpu.pipeline_mode<synchronous>, transform_indices = @transform_1, window_bounds = array<i64: 1, 64>}, {pipeline_mode = #tpu.pipeline_mode<synchronous>, transform_indices = @transform_2, window_bounds = array<i64: 1, 64>}, {pipeline_mode = #tpu.pipeline_mode<synchronous>, transform_indices = @transform_3, window_bounds = array<i64: 1, 64>}, {pipeline_mode = #tpu.pipeline_mode<synchronous>, transform_indices = @transform_4, window_bounds = array<i64: 1, 64>}, {pipeline_mode = #tpu.pipeline_mode<synchronous>, transform_indices = @transform_5, window_bounds = array<i64: 64, 64>}, {pipeline_mode = #tpu.pipeline_mode<synchronous>, transform_indices = @transform_6, window_bounds = array<i64: 1, 64>}, {transform_indices = @transform_7, window_bounds = array<i64: 8192, 64>}, {pipeline_mode = #tpu.pipeline_mode<synchronous>, transform_indices = @transform_8, window_bounds = array<i64: 1, 64>}, {pipeline_mode = #tpu.pipeline_mode<synchronous>, transform_indices = @transform_9, window_bounds = array<i64: 1, 64>}]} {
    %get3A = arith.constant 0 : index
    %get3A_0 = arith.constant 0 : index
    %get3A_1 = vector.load %arg1[%get3A, %get3A_0] : memref<8192x64xf32, #tpu.memory_space<vmem>>, vector<8192x64xf32>
    %get3A_2 = arith.constant 0 : index
    %get3A_3 = arith.constant 0 : index
    %get3A_4 = vector.load %arg2[%get3A_2, %get3A_3] : memref<1x64xf32, #tpu.memory_space<vmem>>, vector<1x64xf32>
    %get3A_5 = arith.constant 0 : index
    %get3A_6 = arith.constant 0 : index
    %get3A_7 = vector.load %arg3[%get3A_5, %get3A_6] : memref<1x64xf32, #tpu.memory_space<vmem>>, vector<1x64xf32>
    %get3A_8 = arith.constant 0 : index
    %get3A_9 = arith.constant 0 : index
    %get3A_10 = vector.load %arg4[%get3A_8, %get3A_9] : memref<1x64xf32, #tpu.memory_space<vmem>>, vector<1x64xf32>
    %get3A_11 = arith.constant 0 : index
    %get3A_12 = arith.constant 0 : index
    %get3A_13 = vector.load %arg5[%get3A_11, %get3A_12] : memref<1x64xf32, #tpu.memory_space<vmem>>, vector<1x64xf32>
    %mul3A = arith.constant 1.52587891E-5 : f32
    %mul3A_14 = vector.broadcast %mul3A : f32 to vector<1x64xf32>
    %mul3A_15 = arith.mulf %get3A_4, %mul3A_14 : vector<1x64xf32>
    %mul3A_16 = arith.constant 1.52587891E-5 : f32
    %mul3A_17 = vector.broadcast %mul3A_16 : f32 to vector<1x64xf32>
    %mul3A_18 = arith.mulf %get3A_7, %mul3A_17 : vector<1x64xf32>
    %mul3A_19 = arith.mulf %mul3A_15, %mul3A_15 : vector<1x64xf32>
    %sub3A = arith.subf %mul3A_18, %mul3A_19 : vector<1x64xf32>
    %sub3A_20 = vector.broadcast %mul3A_15 : vector<1x64xf32> to vector<8192x64xf32>
    %sub3A_21 = arith.subf %get3A_1, %sub3A_20 : vector<8192x64xf32>
    %add3A = arith.constant 9.99999974E-6 : f32
    %add3A_22 = vector.broadcast %add3A : f32 to vector<1x64xf32>
    %add3A_23 = arith.addf %sub3A, %add3A_22 : vector<1x64xf32>
    %sqrt3A = math.sqrt %add3A_23 : vector<1x64xf32>
    %div3A = vector.broadcast %sqrt3A : vector<1x64xf32> to vector<8192x64xf32>
    %div3A_24 = arith.divf %sub3A_21, %div3A : vector<8192x64xf32>
    %mul3A_25 = vector.broadcast %get3A_10 : vector<1x64xf32> to vector<8192x64xf32>
    %mul3A_26 = arith.mulf %div3A_24, %mul3A_25 : vector<8192x64xf32>
    %add3A_27 = vector.broadcast %get3A_13 : vector<1x64xf32> to vector<8192x64xf32>
    %add3A_28 = arith.addf %mul3A_26, %add3A_27 : vector<8192x64xf32>
    %max3A = arith.constant 0.000000e+00 : f32
    %max3A_29 = vector.broadcast %max3A : f32 to vector<8192x64xf32>
    %max3A_30 = arith.maximumf %add3A_28, %max3A_29 : vector<8192x64xf32>
    %get3A_31 = arith.constant 0 : index
    %get3A_32 = arith.constant 0 : index
    %get3A_33 = vector.load %arg6[%get3A_31, %get3A_32] : memref<64x64xf32, #tpu.memory_space<vmem>>, vector<64x64xf32>
    %dot_general3A = arith.constant dense<0.000000e+00> : vector<8192x64xf32>
    %dot_general3A_34 = tpu.matmul %max3A_30, %get3A_33, %dot_general3A {dimension_numbers = #tpu.dot_dimension_numbers<[1], [0], [0], [1], [0, 0, 1, 1], [], []>, transpose_lhs_hint = false} : vector<8192x64xf32>, vector<64x64xf32>, vector<8192x64xf32> -> vector<8192x64xf32>
    %get3A_35 = arith.constant 0 : index
    %get3A_36 = arith.constant 0 : index
    %get3A_37 = vector.load %arg7[%get3A_35, %get3A_36] : memref<1x64xf32, #tpu.memory_space<vmem>>, vector<1x64xf32>
    %add3A_38 = vector.broadcast %get3A_37 : vector<1x64xf32> to vector<8192x64xf32>
    %add3A_39 = arith.addf %dot_general3A_34, %add3A_38 : vector<8192x64xf32>
    %swap3A = arith.constant 0 : index
    %swap3A_40 = arith.constant 0 : index
    %swap3A_41 = vector.load %arg8[%swap3A, %swap3A_40] : memref<8192x64xf32, #tpu.memory_space<vmem>>, vector<8192x64xf32>
    tpu.vector_store %arg8[%swap3A, %swap3A_40], %add3A_39 {strides = array<i32>} : memref<8192x64xf32, #tpu.memory_space<vmem>>, vector<8192x64xf32>,
    %eq3A = arith.constant 0 : i32
    %eq3A_42 = arith.cmpi eq, %arg0, %eq3A : i32
    %convert_element_type3A = arith.extui %eq3A_42 : i1 to i32
    %cond3A = arith.constant 0 : i32
    %cond3A_43 = arith.cmpi ne, %convert_element_type3A, %cond3A : i32
    scf.if %cond3A_43 {
      %broadcast_in_dim3A_63 = arith.constant 0.000000e+00 : f32
      %broadcast_in_dim3A_64 = vector.broadcast %broadcast_in_dim3A_63 : f32 to vector<1x64xf32>
      %swap3A_65 = arith.constant 0 : index
      %swap3A_66 = arith.constant 0 : index
      %swap3A_67 = vector.load %arg9[%swap3A_65, %swap3A_66] : memref<1x64xf32, #tpu.memory_space<vmem>>, vector<1x64xf32>
      tpu.vector_store %arg9[%swap3A_65, %swap3A_66], %broadcast_in_dim3A_64 {strides = array<i32>} : memref<1x64xf32, #tpu.memory_space<vmem>>, vector<1x64xf32>,
      %broadcast_in_dim3A_68 = arith.constant 0.000000e+00 : f32
      %broadcast_in_dim3A_69 = vector.broadcast %broadcast_in_dim3A_68 : f32 to vector<1x64xf32>
      %swap3A_70 = arith.constant 0 : index
      %swap3A_71 = arith.constant 0 : index
      %swap3A_72 = vector.load %arg10[%swap3A_70, %swap3A_71] : memref<1x64xf32, #tpu.memory_space<vmem>>, vector<1x64xf32>
      tpu.vector_store %arg10[%swap3A_70, %swap3A_71], %broadcast_in_dim3A_69 {strides = array<i32>} : memref<1x64xf32, #tpu.memory_space<vmem>>, vector<1x64xf32>,
    } else {
    }
    %get3A_44 = arith.constant 0 : index
    %get3A_45 = arith.constant 0 : index
    %get3A_46 = vector.load %arg9[%get3A_44, %get3A_45] : memref<1x64xf32, #tpu.memory_space<vmem>>, vector<1x64xf32>
    %reduce_sum3A = arith.constant dense<0.000000e+00> : vector<64xf32>
    %reduce_sum3A_47 = vector.multi_reduction <add>, %add3A_39, %reduce_sum3A [0] : vector<8192x64xf32> to vector<64xf32>
    %broadcast_in_dim3A = vector.shape_cast %reduce_sum3A_47 : vector<64xf32> to vector<1x64xf32>
    %add3A_48 = arith.addf %get3A_46, %broadcast_in_dim3A : vector<1x64xf32>
    %swap3A_49 = arith.constant 0 : index
    %swap3A_50 = arith.constant 0 : index
    %swap3A_51 = vector.load %arg9[%swap3A_49, %swap3A_50] : memref<1x64xf32, #tpu.memory_space<vmem>>, vector<1x64xf32>
    tpu.vector_store %arg9[%swap3A_49, %swap3A_50], %add3A_48 {strides = array<i32>} : memref<1x64xf32, #tpu.memory_space<vmem>>, vector<1x64xf32>,
    %get3A_52 = arith.constant 0 : index
    %get3A_53 = arith.constant 0 : index
    %get3A_54 = vector.load %arg10[%get3A_52, %get3A_53] : memref<1x64xf32, #tpu.memory_space<vmem>>, vector<1x64xf32>
    %mul3A_55 = arith.mulf %add3A_39, %add3A_39 : vector<8192x64xf32>
    %reduce_sum3A_56 = arith.constant dense<0.000000e+00> : vector<64xf32>
    %reduce_sum3A_57 = vector.multi_reduction <add>, %mul3A_55, %reduce_sum3A_56 [0] : vector<8192x64xf32> to vector<64xf32>
    %broadcast_in_dim3A_58 = vector.shape_cast %reduce_sum3A_57 : vector<64xf32> to vector<1x64xf32>
    %add3A_59 = arith.addf %get3A_54, %broadcast_in_dim3A_58 : vector<1x64xf32>
    %swap3A_60 = arith.constant 0 : index
    %swap3A_61 = arith.constant 0 : index
    %swap3A_62 = vector.load %arg10[%swap3A_60, %swap3A_61] : memref<1x64xf32, #tpu.memory_space<vmem>>, vector<1x64xf32>
    tpu.vector_store %arg10[%swap3A_60, %swap3A_61], %add3A_59 {strides = array<i32>} : memref<1x64xf32, #tpu.memory_space<vmem>>, vector<1x64xf32>,
    return
  }
  func.func @transform_0(%arg0: i32) -> (i32, i32) {
    %c0_i32 = arith.constant 0 : i32
    %c0_i32_0 = arith.constant 0 : i32
    return %arg0, %c0_i32 : i32, i32
  }
  func.func @transform_1(%arg0: i32) -> (i32, i32) {
    %c0_i32 = arith.constant 0 : i32
    %c0_i32_0 = arith.constant 0 : i32
    %c0_i32_1 = arith.constant 0 : i32
    return %c0_i32, %c0_i32_0 : i32, i32
  }
  func.func @transform_2(%arg0: i32) -> (i32, i32) {
    %c0_i32 = arith.constant 0 : i32
    %c0_i32_0 = arith.constant 0 : i32
    %c0_i32_1 = arith.constant 0 : i32
    return %c0_i32, %c0_i32_0 : i32, i32
  }
  func.func @transform_3(%arg0: i32) -> (i32, i32) {
    %c0_i32 = arith.constant 0 : i32
    %c0_i32_0 = arith.constant 0 : i32
    %c0_i32_1 = arith.constant 0 : i32
    return %c0_i32, %c0_i32_0 : i32, i32
  }
  func.func @transform_4(%arg0: i32) -> (i32, i32) {
    %c0_i32 = arith.constant 0 : i32
    %c0_i32_0 = arith.constant 0 : i32
    %c0_i32_1 = arith.constant 0 : i32
    return %c0_i32, %c0_i32_0 : i32, i32
  }
  func.func @transform_5(%arg0: i32) -> (i32, i32) {
    %c0_i32 = arith.constant 0 : i32
    %c0_i32_0 = arith.constant 0 : i32
    %c0_i32_1 = arith.constant 0 : i32
    return %c0_i32, %c0_i32_0 : i32, i32
  }
  func.func @transform_6(%arg0: i32) -> (i32, i32) {
    %c0_i32 = arith.constant 0 : i32
    %c0_i32_0 = arith.constant 0 : i32
    %c0_i32_1 = arith.constant 0 : i32
    return %c0_i32, %c0_i32_0 : i32, i32
  }
  func.func @transform_7(%arg0: i32) -> (i32, i32) {
    %c0_i32 = arith.constant 0 : i32
    %c0_i32_0 = arith.constant 0 : i32
    return %arg0, %c0_i32 : i32, i32
  }
  func.func @transform_8(%arg0: i32) -> (i32, i32) {
    %c0_i32 = arith.constant 0 : i32
    %c0_i32_0 = arith.constant 0 : i32
    %c0_i32_1 = arith.constant 0 : i32
    return %c0_i32, %c0_i32_0 : i32, i32
  }
  func.func @transform_9(%arg0: i32) -> (i32, i32) {
    %c0_i32 = arith.constant 0 : i32
    %c0_i32_0 = arith.constant 0 : i32
    %c0_i32_1 = arith.constant 0 : i32
    return %c0_i32, %c0_i32_0 : i32, i32
  }
}

module attributes {stable_mosaic.version = 14 : i64} {
  func.func @_mlp_c_body(%arg0: i32, %arg1: memref<8192x64xf32, #tpu.memory_space<vmem>>, %arg2: memref<1x64xf32, #tpu.memory_space<vmem>>, %arg3: memref<1x64xf32, #tpu.memory_space<vmem>>, %arg4: memref<1x64xf32, #tpu.memory_space<vmem>>, %arg5: memref<1x64xf32, #tpu.memory_space<vmem>>, %arg6: memref<8x128xf32, #tpu.memory_space<vmem>>, %arg7: memref<128x64xf32, #tpu.memory_space<vmem>>, %arg8: memref<1x64xf32, #tpu.memory_space<vmem>>, %arg9: memref<1x64xf32, #tpu.memory_space<vmem>>, %arg10: memref<1x64xf32, #tpu.memory_space<vmem>>, %arg11: memref<64x64xf32, #tpu.memory_space<vmem>>, %arg12: memref<1x64xf32, #tpu.memory_space<vmem>>, %arg13: memref<1x64xf32, #tpu.memory_space<vmem>>, %arg14: memref<1x64xf32, #tpu.memory_space<vmem>>, %arg15: memref<512x64xf32, #tpu.memory_space<vmem>>, %arg16: memref<8x64xf32, #tpu.memory_space<vmem>>) attributes {dimension_semantics = [#tpu.dimension_semantics<arbitrary>], iteration_bounds = array<i64: 8>, scalar_prefetch = 0 : i64, scratch_operands = 0 : i64, tpu.core_type = #tpu.core_type<tc>, window_params = [{transform_indices = @transform_0, window_bounds = array<i64: 8192, 64>}, {pipeline_mode = #tpu.pipeline_mode<synchronous>, transform_indices = @transform_1, window_bounds = array<i64: 1, 64>}, {pipeline_mode = #tpu.pipeline_mode<synchronous>, transform_indices = @transform_2, window_bounds = array<i64: 1, 64>}, {pipeline_mode = #tpu.pipeline_mode<synchronous>, transform_indices = @transform_3, window_bounds = array<i64: 1, 64>}, {pipeline_mode = #tpu.pipeline_mode<synchronous>, transform_indices = @transform_4, window_bounds = array<i64: 1, 64>}, {pipeline_mode = #tpu.pipeline_mode<synchronous>, transform_indices = @transform_5, window_bounds = array<i64: 8, 128>}, {pipeline_mode = #tpu.pipeline_mode<synchronous>, transform_indices = @transform_6, window_bounds = array<i64: 128, 64>}, {pipeline_mode = #tpu.pipeline_mode<synchronous>, transform_indices = @transform_7, window_bounds = array<i64: 1, 64>}, {pipeline_mode = #tpu.pipeline_mode<synchronous>, transform_indices = @transform_8, window_bounds = array<i64: 1, 64>}, {pipeline_mode = #tpu.pipeline_mode<synchronous>, transform_indices = @transform_9, window_bounds = array<i64: 1, 64>}, {pipeline_mode = #tpu.pipeline_mode<synchronous>, transform_indices = @transform_10, window_bounds = array<i64: 64, 64>}, {pipeline_mode = #tpu.pipeline_mode<synchronous>, transform_indices = @transform_11, window_bounds = array<i64: 1, 64>}, {pipeline_mode = #tpu.pipeline_mode<synchronous>, transform_indices = @transform_12, window_bounds = array<i64: 1, 64>}, {pipeline_mode = #tpu.pipeline_mode<synchronous>, transform_indices = @transform_13, window_bounds = array<i64: 1, 64>}, {transform_indices = @transform_14, window_bounds = array<i64: 512, 64>}, {pipeline_mode = #tpu.pipeline_mode<synchronous>, transform_indices = @transform_15, window_bounds = array<i64: 8, 64>}]} {
    %get3A = arith.constant 0 : index
    %get3A_0 = arith.constant 0 : index
    %get3A_1 = vector.load %arg1[%get3A, %get3A_0] : memref<8192x64xf32, #tpu.memory_space<vmem>>, vector<8192x64xf32>
    %get3A_2 = arith.constant 0 : index
    %get3A_3 = arith.constant 0 : index
    %get3A_4 = vector.load %arg2[%get3A_2, %get3A_3] : memref<1x64xf32, #tpu.memory_space<vmem>>, vector<1x64xf32>
    %get3A_5 = arith.constant 0 : index
    %get3A_6 = arith.constant 0 : index
    %get3A_7 = vector.load %arg3[%get3A_5, %get3A_6] : memref<1x64xf32, #tpu.memory_space<vmem>>, vector<1x64xf32>
    %get3A_8 = arith.constant 0 : index
    %get3A_9 = arith.constant 0 : index
    %get3A_10 = vector.load %arg4[%get3A_8, %get3A_9] : memref<1x64xf32, #tpu.memory_space<vmem>>, vector<1x64xf32>
    %get3A_11 = arith.constant 0 : index
    %get3A_12 = arith.constant 0 : index
    %get3A_13 = vector.load %arg5[%get3A_11, %get3A_12] : memref<1x64xf32, #tpu.memory_space<vmem>>, vector<1x64xf32>
    %mul3A = arith.constant 1.52587891E-5 : f32
    %mul3A_14 = vector.broadcast %mul3A : f32 to vector<1x64xf32>
    %mul3A_15 = arith.mulf %get3A_4, %mul3A_14 : vector<1x64xf32>
    %mul3A_16 = arith.constant 1.52587891E-5 : f32
    %mul3A_17 = vector.broadcast %mul3A_16 : f32 to vector<1x64xf32>
    %mul3A_18 = arith.mulf %get3A_7, %mul3A_17 : vector<1x64xf32>
    %mul3A_19 = arith.mulf %mul3A_15, %mul3A_15 : vector<1x64xf32>
    %sub3A = arith.subf %mul3A_18, %mul3A_19 : vector<1x64xf32>
    %sub3A_20 = vector.broadcast %mul3A_15 : vector<1x64xf32> to vector<8192x64xf32>
    %sub3A_21 = arith.subf %get3A_1, %sub3A_20 : vector<8192x64xf32>
    %add3A = arith.constant 9.99999974E-6 : f32
    %add3A_22 = vector.broadcast %add3A : f32 to vector<1x64xf32>
    %add3A_23 = arith.addf %sub3A, %add3A_22 : vector<1x64xf32>
    %sqrt3A = math.sqrt %add3A_23 : vector<1x64xf32>
    %div3A = vector.broadcast %sqrt3A : vector<1x64xf32> to vector<8192x64xf32>
    %div3A_24 = arith.divf %sub3A_21, %div3A : vector<8192x64xf32>
    %mul3A_25 = vector.broadcast %get3A_10 : vector<1x64xf32> to vector<8192x64xf32>
    %mul3A_26 = arith.mulf %div3A_24, %mul3A_25 : vector<8192x64xf32>
    %add3A_27 = vector.broadcast %get3A_13 : vector<1x64xf32> to vector<8192x64xf32>
    %add3A_28 = arith.addf %mul3A_26, %add3A_27 : vector<8192x64xf32>
    %max3A = arith.constant 0.000000e+00 : f32
    %max3A_29 = vector.broadcast %max3A : f32 to vector<8192x64xf32>
    %max3A_30 = arith.maximumf %add3A_28, %max3A_29 : vector<8192x64xf32>
    %reshape3A = vector.shape_cast %max3A_30 : vector<8192x64xf32> to vector<512x16x64xf32>
    %reduce_max3A = arith.constant dense<0xFF800000> : vector<512x64xf32>
    %reduce_max3A_31 = vector.multi_reduction <maximumf>, %reshape3A, %reduce_max3A [1] : vector<512x16x64xf32> to vector<512x64xf32>
    %swap3A = arith.constant 0 : index
    %swap3A_32 = arith.constant 0 : index
    %swap3A_33 = vector.load %arg15[%swap3A, %swap3A_32] : memref<512x64xf32, #tpu.memory_space<vmem>>, vector<512x64xf32>
    tpu.vector_store %arg15[%swap3A, %swap3A_32], %reduce_max3A_31 {strides = array<i32>} : memref<512x64xf32, #tpu.memory_space<vmem>>, vector<512x64xf32>,
    %eq3A = arith.constant 0 : i32
    %eq3A_34 = arith.cmpi eq, %arg0, %eq3A : i32
    %convert_element_type3A = arith.extui %eq3A_34 : i1 to i32
    %cond3A = arith.constant 0 : i32
    %cond3A_35 = arith.cmpi ne, %convert_element_type3A, %cond3A : i32
    scf.if %cond3A_35 {
      %get3A_36 = arith.constant 0 : index
      %get3A_37 = arith.constant 0 : index
      %get3A_38 = vector.load %arg6[%get3A_36, %get3A_37] : memref<8x128xf32, #tpu.memory_space<vmem>>, vector<8x128xf32>
      %get3A_39 = arith.constant 0 : index
      %get3A_40 = arith.constant 0 : index
      %get3A_41 = vector.load %arg7[%get3A_39, %get3A_40] : memref<128x64xf32, #tpu.memory_space<vmem>>, vector<128x64xf32>
      %dot_general3A = arith.constant dense<0.000000e+00> : vector<8x64xf32>
      %dot_general3A_42 = tpu.matmul %get3A_38, %get3A_41, %dot_general3A {dimension_numbers = #tpu.dot_dimension_numbers<[1], [0], [0], [1], [0, 0, 1, 1], [], []>, transpose_lhs_hint = false} : vector<8x128xf32>, vector<128x64xf32>, vector<8x64xf32> -> vector<8x64xf32>
      %get3A_43 = arith.constant 0 : index
      %get3A_44 = arith.constant 0 : index
      %get3A_45 = vector.load %arg8[%get3A_43, %get3A_44] : memref<1x64xf32, #tpu.memory_space<vmem>>, vector<1x64xf32>
      %add3A_46 = vector.broadcast %get3A_45 : vector<1x64xf32> to vector<8x64xf32>
      %add3A_47 = arith.addf %dot_general3A_42, %add3A_46 : vector<8x64xf32>
      %reduce_sum3A = arith.constant dense<0.000000e+00> : vector<64xf32>
      %reduce_sum3A_48 = vector.multi_reduction <add>, %add3A_47, %reduce_sum3A [0] : vector<8x64xf32> to vector<64xf32>
      %broadcast_in_dim3A = vector.shape_cast %reduce_sum3A_48 : vector<64xf32> to vector<1x64xf32>
      %mul3A_49 = arith.mulf %add3A_47, %add3A_47 : vector<8x64xf32>
      %reduce_sum3A_50 = arith.constant dense<0.000000e+00> : vector<64xf32>
      %reduce_sum3A_51 = vector.multi_reduction <add>, %mul3A_49, %reduce_sum3A_50 [0] : vector<8x64xf32> to vector<64xf32>
      %broadcast_in_dim3A_52 = vector.shape_cast %reduce_sum3A_51 : vector<64xf32> to vector<1x64xf32>
      %get3A_53 = arith.constant 0 : index
      %get3A_54 = arith.constant 0 : index
      %get3A_55 = vector.load %arg9[%get3A_53, %get3A_54] : memref<1x64xf32, #tpu.memory_space<vmem>>, vector<1x64xf32>
      %get3A_56 = arith.constant 0 : index
      %get3A_57 = arith.constant 0 : index
      %get3A_58 = vector.load %arg10[%get3A_56, %get3A_57] : memref<1x64xf32, #tpu.memory_space<vmem>>, vector<1x64xf32>
      %mul3A_59 = arith.constant 1.250000e-01 : f32
      %mul3A_60 = vector.broadcast %mul3A_59 : f32 to vector<1x64xf32>
      %mul3A_61 = arith.mulf %broadcast_in_dim3A, %mul3A_60 : vector<1x64xf32>
      %mul3A_62 = arith.constant 1.250000e-01 : f32
      %mul3A_63 = vector.broadcast %mul3A_62 : f32 to vector<1x64xf32>
      %mul3A_64 = arith.mulf %broadcast_in_dim3A_52, %mul3A_63 : vector<1x64xf32>
      %mul3A_65 = arith.mulf %mul3A_61, %mul3A_61 : vector<1x64xf32>
      %sub3A_66 = arith.subf %mul3A_64, %mul3A_65 : vector<1x64xf32>
      %sub3A_67 = vector.broadcast %mul3A_61 : vector<1x64xf32> to vector<8x64xf32>
      %sub3A_68 = arith.subf %add3A_47, %sub3A_67 : vector<8x64xf32>
      %add3A_69 = arith.constant 9.99999974E-6 : f32
      %add3A_70 = vector.broadcast %add3A_69 : f32 to vector<1x64xf32>
      %add3A_71 = arith.addf %sub3A_66, %add3A_70 : vector<1x64xf32>
      %sqrt3A_72 = math.sqrt %add3A_71 : vector<1x64xf32>
      %div3A_73 = vector.broadcast %sqrt3A_72 : vector<1x64xf32> to vector<8x64xf32>
      %div3A_74 = arith.divf %sub3A_68, %div3A_73 : vector<8x64xf32>
      %mul3A_75 = vector.broadcast %get3A_55 : vector<1x64xf32> to vector<8x64xf32>
      %mul3A_76 = arith.mulf %div3A_74, %mul3A_75 : vector<8x64xf32>
      %add3A_77 = vector.broadcast %get3A_58 : vector<1x64xf32> to vector<8x64xf32>
      %add3A_78 = arith.addf %mul3A_76, %add3A_77 : vector<8x64xf32>
      %max3A_79 = arith.constant 0.000000e+00 : f32
      %max3A_80 = vector.broadcast %max3A_79 : f32 to vector<8x64xf32>
      %max3A_81 = arith.maximumf %add3A_78, %max3A_80 : vector<8x64xf32>
      %get3A_82 = arith.constant 0 : index
      %get3A_83 = arith.constant 0 : index
      %get3A_84 = vector.load %arg11[%get3A_82, %get3A_83] : memref<64x64xf32, #tpu.memory_space<vmem>>, vector<64x64xf32>
      %dot_general3A_85 = arith.constant dense<0.000000e+00> : vector<8x64xf32>
      %dot_general3A_86 = tpu.matmul %max3A_81, %get3A_84, %dot_general3A_85 {dimension_numbers = #tpu.dot_dimension_numbers<[1], [0], [0], [1], [0, 0, 1, 1], [], []>, transpose_lhs_hint = false} : vector<8x64xf32>, vector<64x64xf32>, vector<8x64xf32> -> vector<8x64xf32>
      %get3A_87 = arith.constant 0 : index
      %get3A_88 = arith.constant 0 : index
      %get3A_89 = vector.load %arg12[%get3A_87, %get3A_88] : memref<1x64xf32, #tpu.memory_space<vmem>>, vector<1x64xf32>
      %add3A_90 = vector.broadcast %get3A_89 : vector<1x64xf32> to vector<8x64xf32>
      %add3A_91 = arith.addf %dot_general3A_86, %add3A_90 : vector<8x64xf32>
      %reduce_sum3A_92 = arith.constant dense<0.000000e+00> : vector<64xf32>
      %reduce_sum3A_93 = vector.multi_reduction <add>, %add3A_91, %reduce_sum3A_92 [0] : vector<8x64xf32> to vector<64xf32>
      %broadcast_in_dim3A_94 = vector.shape_cast %reduce_sum3A_93 : vector<64xf32> to vector<1x64xf32>
      %mul3A_95 = arith.mulf %add3A_91, %add3A_91 : vector<8x64xf32>
      %reduce_sum3A_96 = arith.constant dense<0.000000e+00> : vector<64xf32>
      %reduce_sum3A_97 = vector.multi_reduction <add>, %mul3A_95, %reduce_sum3A_96 [0] : vector<8x64xf32> to vector<64xf32>
      %broadcast_in_dim3A_98 = vector.shape_cast %reduce_sum3A_97 : vector<64xf32> to vector<1x64xf32>
      %get3A_99 = arith.constant 0 : index
      %get3A_100 = arith.constant 0 : index
      %get3A_101 = vector.load %arg13[%get3A_99, %get3A_100] : memref<1x64xf32, #tpu.memory_space<vmem>>, vector<1x64xf32>
      %get3A_102 = arith.constant 0 : index
      %get3A_103 = arith.constant 0 : index
      %get3A_104 = vector.load %arg14[%get3A_102, %get3A_103] : memref<1x64xf32, #tpu.memory_space<vmem>>, vector<1x64xf32>
      %mul3A_105 = arith.constant 1.250000e-01 : f32
      %mul3A_106 = vector.broadcast %mul3A_105 : f32 to vector<1x64xf32>
      %mul3A_107 = arith.mulf %broadcast_in_dim3A_94, %mul3A_106 : vector<1x64xf32>
      %mul3A_108 = arith.constant 1.250000e-01 : f32
      %mul3A_109 = vector.broadcast %mul3A_108 : f32 to vector<1x64xf32>
      %mul3A_110 = arith.mulf %broadcast_in_dim3A_98, %mul3A_109 : vector<1x64xf32>
      %mul3A_111 = arith.mulf %mul3A_107, %mul3A_107 : vector<1x64xf32>
      %sub3A_112 = arith.subf %mul3A_110, %mul3A_111 : vector<1x64xf32>
      %sub3A_113 = vector.broadcast %mul3A_107 : vector<1x64xf32> to vector<8x64xf32>
      %sub3A_114 = arith.subf %add3A_91, %sub3A_113 : vector<8x64xf32>
      %add3A_115 = arith.constant 9.99999974E-6 : f32
      %add3A_116 = vector.broadcast %add3A_115 : f32 to vector<1x64xf32>
      %add3A_117 = arith.addf %sub3A_112, %add3A_116 : vector<1x64xf32>
      %sqrt3A_118 = math.sqrt %add3A_117 : vector<1x64xf32>
      %div3A_119 = vector.broadcast %sqrt3A_118 : vector<1x64xf32> to vector<8x64xf32>
      %div3A_120 = arith.divf %sub3A_114, %div3A_119 : vector<8x64xf32>
      %mul3A_121 = vector.broadcast %get3A_101 : vector<1x64xf32> to vector<8x64xf32>
      %mul3A_122 = arith.mulf %div3A_120, %mul3A_121 : vector<8x64xf32>
      %add3A_123 = vector.broadcast %get3A_104 : vector<1x64xf32> to vector<8x64xf32>
      %add3A_124 = arith.addf %mul3A_122, %add3A_123 : vector<8x64xf32>
      %max3A_125 = arith.constant 0.000000e+00 : f32
      %max3A_126 = vector.broadcast %max3A_125 : f32 to vector<8x64xf32>
      %max3A_127 = arith.maximumf %add3A_124, %max3A_126 : vector<8x64xf32>
      %swap3A_128 = arith.constant 0 : index
      %swap3A_129 = arith.constant 0 : index
      %swap3A_130 = vector.load %arg16[%swap3A_128, %swap3A_129] : memref<8x64xf32, #tpu.memory_space<vmem>>, vector<8x64xf32>
      tpu.vector_store %arg16[%swap3A_128, %swap3A_129], %max3A_127 {strides = array<i32>} : memref<8x64xf32, #tpu.memory_space<vmem>>, vector<8x64xf32>,
    } else {
    }
    return
  }
  func.func @transform_0(%arg0: i32) -> (i32, i32) {
    %c0_i32 = arith.constant 0 : i32
    %c0_i32_0 = arith.constant 0 : i32
    return %arg0, %c0_i32 : i32, i32
  }
  func.func @transform_1(%arg0: i32) -> (i32, i32) {
    %c0_i32 = arith.constant 0 : i32
    %c0_i32_0 = arith.constant 0 : i32
    %c0_i32_1 = arith.constant 0 : i32
    return %c0_i32, %c0_i32_0 : i32, i32
  }
  func.func @transform_2(%arg0: i32) -> (i32, i32) {
    %c0_i32 = arith.constant 0 : i32
    %c0_i32_0 = arith.constant 0 : i32
    %c0_i32_1 = arith.constant 0 : i32
    return %c0_i32, %c0_i32_0 : i32, i32
  }
  func.func @transform_3(%arg0: i32) -> (i32, i32) {
    %c0_i32 = arith.constant 0 : i32
    %c0_i32_0 = arith.constant 0 : i32
    %c0_i32_1 = arith.constant 0 : i32
    return %c0_i32, %c0_i32_0 : i32, i32
  }
  func.func @transform_4(%arg0: i32) -> (i32, i32) {
    %c0_i32 = arith.constant 0 : i32
    %c0_i32_0 = arith.constant 0 : i32
    %c0_i32_1 = arith.constant 0 : i32
    return %c0_i32, %c0_i32_0 : i32, i32
  }
  func.func @transform_5(%arg0: i32) -> (i32, i32) {
    %c0_i32 = arith.constant 0 : i32
    %c0_i32_0 = arith.constant 0 : i32
    %c0_i32_1 = arith.constant 0 : i32
    return %c0_i32, %c0_i32_0 : i32, i32
  }
  func.func @transform_6(%arg0: i32) -> (i32, i32) {
    %c0_i32 = arith.constant 0 : i32
    %c0_i32_0 = arith.constant 0 : i32
    %c0_i32_1 = arith.constant 0 : i32
    return %c0_i32, %c0_i32_0 : i32, i32
  }
  func.func @transform_7(%arg0: i32) -> (i32, i32) {
    %c0_i32 = arith.constant 0 : i32
    %c0_i32_0 = arith.constant 0 : i32
    %c0_i32_1 = arith.constant 0 : i32
    return %c0_i32, %c0_i32_0 : i32, i32
  }
  func.func @transform_8(%arg0: i32) -> (i32, i32) {
    %c0_i32 = arith.constant 0 : i32
    %c0_i32_0 = arith.constant 0 : i32
    %c0_i32_1 = arith.constant 0 : i32
    return %c0_i32, %c0_i32_0 : i32, i32
  }
  func.func @transform_9(%arg0: i32) -> (i32, i32) {
    %c0_i32 = arith.constant 0 : i32
    %c0_i32_0 = arith.constant 0 : i32
    %c0_i32_1 = arith.constant 0 : i32
    return %c0_i32, %c0_i32_0 : i32, i32
  }
  func.func @transform_10(%arg0: i32) -> (i32, i32) {
    %c0_i32 = arith.constant 0 : i32
    %c0_i32_0 = arith.constant 0 : i32
    %c0_i32_1 = arith.constant 0 : i32
    return %c0_i32, %c0_i32_0 : i32, i32
  }
  func.func @transform_11(%arg0: i32) -> (i32, i32) {
    %c0_i32 = arith.constant 0 : i32
    %c0_i32_0 = arith.constant 0 : i32
    %c0_i32_1 = arith.constant 0 : i32
    return %c0_i32, %c0_i32_0 : i32, i32
  }
  func.func @transform_12(%arg0: i32) -> (i32, i32) {
    %c0_i32 = arith.constant 0 : i32
    %c0_i32_0 = arith.constant 0 : i32
    %c0_i32_1 = arith.constant 0 : i32
    return %c0_i32, %c0_i32_0 : i32, i32
  }
  func.func @transform_13(%arg0: i32) -> (i32, i32) {
    %c0_i32 = arith.constant 0 : i32
    %c0_i32_0 = arith.constant 0 : i32
    %c0_i32_1 = arith.constant 0 : i32
    return %c0_i32, %c0_i32_0 : i32, i32
  }
  func.func @transform_14(%arg0: i32) -> (i32, i32) {
    %c0_i32 = arith.constant 0 : i32
    %c0_i32_0 = arith.constant 0 : i32
    return %arg0, %c0_i32 : i32, i32
  }
  func.func @transform_15(%arg0: i32) -> (i32, i32) {
    %c0_i32 = arith.constant 0 : i32
    %c0_i32_0 = arith.constant 0 : i32
    %c0_i32_1 = arith.constant 0 : i32
    return %c0_i32, %c0_i32_0 : i32, i32
  }
}

</mosaic_0001>

<sc_bundles>
// kernel: kernel.8.cloned.1.call-start
scs
__scs_entry_jumppad:
0x0: {  	(pc) =	sbr.rel $0x88, $3  }
0x1: {  	(tag) =	ssettag $0x0;
	lr =	simm.s32 $0x1  }
0x2: {  	[smem:$0x3F8F] =	sst lr;
	_ =	strace $0xD0000000  }
0x3: {  	_ = 	snop  }
0x4: {  	_ = 	snop  }
0x5: {  	_ = 	snop  }
0x6: {  	_ = 	snop  }
0x7: {  	_ = 	snop  }
__scs_overlays_trampoline_lowered:
0x8: {  	[smem:$0x3F9E] =	sst s0  }
0x9: {  	[smem:$0x3F9F] =	sst s1  }
0xa: {  	[smem:$0x3FA0] =	sst s2  }
0xb: {  	[smem:$0x3FA1] =	sst s3  }
0xc: {  	[smem:$0x3FA2] =	sst s4  }
0xd: {  	[smem:$0x3FA3] =	sst s5  }
0xe: {  	[smem:$0x3FA4] =	sst s6  }
0xf: {  	[smem:$0x3FA5] =	sst s7  }
0x10: {  	[smem:$0x3FA6] =	sst s8  }
0x11: {  	[smem:$0x3FA7] =	sst s9;
	s0 =	simm.s32 @!p0 $0x0  }
0x12: {  	s1 =	sld [smem:$0x3F8D];
	s0 =	simm.s32 @p0 $0x1  }
0x13: {  	[smem:$0x3FA8] =	sst s0;
	s0 =	simm.s32 @!p1 $0x0  }
0x14: {  	s2 =	sld [smem:$0x3F8C];
	s0 =	simm.s32 @p1 $0x1  }
0x15: {  	[smem:$0x3FA9] =	sst s0;
	s0 =	simm.s32 @!p2 $0x0  }
0x16: {  	s3 =	sld [smem:$0x3FDB];
	s0 =	simm.s32 @p2 $0x1  }
0x17: {  	s4 =	simm.s32 $0x1BF5;
	[smem:$0x3FAB] =	sst s0  }
0x18: {  	s0 =	sld [smem:$0x3F8E];
	_ =	swait.ge [sflag:s4], $0x0  }
0x19: {  	s7 =	sld [smem:$0x3F8F]  }
0x1a: {  	s8 =	sadd.s32 $0xFFFFE003, lr  }
0x1b: {  	s9 =	sadd.s32 $0xFFFFFEF7, lr;
	s5 =	simm.s32 $0xFFFFFFFF;
	p2 =	slt.u32 s8, $0xFFFFF086  }
0x1c: {  	p1 =	slt.u32 s9, $0xF7A;
	s5 =	simm.s32 @!p2 $0x0  }
0x1d: {  	s5 =	simm.s32 @p1 $0x1;
	p0 =	seq.s32 s7, s2  }
0x1e: {  	s7 =	smul.u32 @!p0 $0xF7A, s2;
	p2 =	seq.s32 @!p0 s5, $0x0  }
0x1f: {  	s9 =	smul.u32 $0xF7A, s1;
	s8 =	simm.s32 @!p0 $0x1BF5;
	p2 =	por !p2, p0  }
0x20: {  	[sflag:s8] =	ssyncset.s32 @!p0 $0xFFFFF086;
	s6 =	sadd.s32 @!p0 s3, s7;
	s7 =	simm.s32 @!p0 $0x108  }
0x21: {  	s3 =	sadd.s32 s3, s9;
	s6 =	sadd.s32 @!p0 $0x88, s6;
	s7 =	simm.s32 @p2 $0x1082  }
0x22: {  	[simem:s7], [sflag:s8] =	dma.local @!p0 [hbm:s6], $0xF7A  }
0x23: {  	s9 =	sor.u32 $0xD0000000, s2;
	s6 =	simm.s32 $0x108;
	_ =	swait.ge @!p0 [sflag:s8], $0x0  }
0x24: {  	s3 =	sadd.s32 $0x88, s3;
	s6 =	simm.s32 @!p1 $0x1082;
	[sflag:s4] =	ssyncset.s32 $0xFFFFF086  }
0x25: {  	[simem:s6], [sflag:s4] =	dma.local [hbm:s3], $0xF7A  }
0x26: {  	[smem:$0x3F8F] =	sst s1;
	(tag) =	ssettag s2;
	_ =	strace s9  }
0x27: {  	s1 =	sld [smem:$0x3F9F]  }
0x28: {  	s2 =	sld [smem:$0x3FA0]  }
0x29: {  	s4 =	sld [smem:$0x3FA2]  }
0x2a: {  	p0 =	seq.s32 s5, $0x0;
	s5 =	sld [smem:$0x3FA3]  }
0x2b: {  	s6 =	sld [smem:$0x3FA4]  }
0x2c: {  	s7 =	sld [smem:$0x3FA5]  }
0x2d: {  	s3 =	simm.s32 $0x108;
	s8 =	sld [smem:$0x3FA6]  }
0x2e: {  	s3 =	simm.s32 @!p0 $0x1082;
	s9 =	sld [smem:$0x3FA7]  }
0x2f: {  	lr =	sadd.s32 s0, s3;
	s0 =	sld [smem:$0x3F9E]  }
0x30: {  	s3 =	sld [smem:$0x3FA1]  }
0x31: {  	[smem:$0x3FAA] =	sst s10  }
0x32: {  	s10 =	sld [smem:$0x3FA8];
	_ =	sdelay $0x3  }
0x33: {  	p0 =	seq.s32 s10, $0x1;
	s10 =	sld [smem:$0x3FAA];
	_ =	sdelay $0x3  }
0x34: {  	[smem:$0x3FAA] =	sst s10  }
0x35: {  	s10 =	sld [smem:$0x3FA9];
	_ =	sdelay $0x3  }
0x36: {  	p1 =	seq.s32 s10, $0x1;
	s10 =	sld [smem:$0x3FAA];
	_ =	sdelay $0x3  }
0x37: {  	[smem:$0x3FAA] =	sst s10  }
0x38: {  	s10 =	sld [smem:$0x3FAB]  }
0x39: {  	_ = 	snop;
	(pc) =	sbr.ind lr, $3  }
0x3a: {  	_ = 	snop  }
0x3b: {  	_ = 	snop  }
0x3c: {  	p2 =	seq.s32 s10, $0x1;
	s10 =	sld [smem:$0x3FAA]  }
0x3d: {  	_ =	shalt  }
0x3e: {  	_ =	shalt  }
0x3f: {  	_ =	shalt  }
0x40: {  	_ =	shalt  }
0x41: {  	_ =	shalt  }
0x42: {  	_ =	shalt  }
0x43: {  	_ =	shalt  }
0x44: {  	_ =	shalt  }
0x45: {  	_ =	shalt  }
0x46: {  	_ =	shalt  }
0x47: {  	_ =	shalt  }
0x48: {  	_ =	shalt  }
0x49: {  	_ =	shalt  }
0x4a: {  	_ =	shalt  }
0x4b: {  	_ =	shalt  }
0x4c: {  	_ =	shalt  }
0x4d: {  	_ =	shalt  }
0x4e: {  	_ =	shalt  }
0x4f: {  	_ =	shalt  }
0x50: {  	_ =	shalt  }
0x51: {  	_ =	shalt  }
0x52: {  	_ =	shalt  }
0x53: {  	_ =	shalt  }
0x54: {  	_ =	shalt  }
0x55: {  	_ =	shalt  }
0x56: {  	_ =	shalt  }
0x57: {  	_ =	shalt  }
0x58: {  	_ =	shalt  }
0x59: {  	_ =	shalt  }
0x5a: {  	_ =	shalt  }
0x5b: {  	_ =	shalt  }
0x5c: {  	_ =	shalt  }
0x5d: {  	_ =	shalt  }
0x5e: {  	_ =	shalt  }
0x5f: {  	_ =	shalt  }
0x60: {  	_ =	shalt  }
0x61: {  	_ =	shalt  }
0x62: {  	_ =	shalt  }
0x63: {  	_ =	shalt  }
0x64: {  	_ =	shalt  }
0x65: {  	_ =	shalt  }
0x66: {  	_ =	shalt  }
0x67: {  	_ =	shalt  }
0x68: {  	_ =	shalt  }
0x69: {  	_ =	shalt  }
0x6a: {  	_ =	shalt  }
0x6b: {  	_ =	shalt  }
0x6c: {  	_ =	shalt  }
0x6d: {  	_ =	shalt  }
0x6e: {  	_ =	shalt  }
0x6f: {  	_ =	shalt  }
0x70: {  	_ =	shalt  }
0x71: {  	_ =	shalt  }
0x72: {  	_ =	shalt  }
0x73: {  	_ =	shalt  }
0x74: {  	_ =	shalt  }
0x75: {  	_ =	shalt  }
0x76: {  	_ =	shalt  }
0x77: {  	_ =	shalt  }
0x78: {  	_ =	shalt  }
0x79: {  	_ =	shalt  }
0x7a: {  	_ =	shalt  }
0x7b: {  	_ =	shalt  }
0x7c: {  	_ =	shalt  }
0x7d: {  	_ =	shalt  }
0x7e: {  	_ =	shalt  }
0x7f: {  	_ =	shalt  }
0x80: {  	_ =	shalt  }
0x81: {  	_ =	shalt  }
0x82: {  	_ =	shalt  }
0x83: {  	_ =	shalt  }
0x84: {  	_ =	shalt  }
0x85: {  	_ =	shalt  }
0x86: {  	_ =	shalt  }
0x87: {  	_ =	shalt  }
.Lfunc_end0:
.L_simem_size_0:
called_computation_lowered:
.L_overlay_start_0:
0x88: {  	s2 =	sld [smem:$0x3FD9]  }
0x89: {  	s3 =	sld [smem:$0x3FFE];
	_ =	sdelay $0x1  }
0x8a: {  	s1 =	srdreg.scid  }
0x8b: {  	s0 =	sand.u32 $0x1, s1  }
0x8c: {  	s14 =	sshll.u32 s0, $0xA;
	s2 =	sadd.s32 s3, s2  }
0x8d: {  	s2 =	sadd.s32 s2, s14  }
0x8e: {  	[smem:$0x3FB6] =	sst s2  }
0x8f: {  	_ = 	snop  }
0x90: {  	s2 =	sld [smem:$0x3FD0];
	_ =	sdelay $0x2  }
0x91: {  	s15 =	simm.s32 $0xA;
	s4 =	simm.s32 $0x10  }
0x92: {  	[smem:s4], [sflag:s15] =	dma.local [hbm:s2], $0x1  }
0x93: {  	_ =	swait.eq [sflag:s15], $0x1  }
0x94: {  	[sflag:s15] =	ssyncset.done $0x0  }
0x95: {  	[sflag:s15] =	ssyncadd.s32 $0xFFFFFFFF  }
0x96: {  	s16 =	sld [smem:$0x11];
	(tm) =	ssettm $0x1  }
0x97: {  	s17 =	sld [smem:$0x3FFB];
	_ =	sdelay $0x3  }
0x98: {  	_ =	strace s17  }
0x99: {  	s3 =	sld [smem:$0x3FFC];
	_ =	sdelay $0x3  }
0x9a: {  	_ =	strace s3  }
0x9b: {  	s3 =	sld [smem:$0x3FFD];
	_ =	sdelay $0x3  }
0x9c: {  	_ =	strace s3  }
0x9d: {  	_ =	strace $0x8FFFFFFF  }
0x9e: {  	s18 =	sld [smem:$0x3FDB];
	_ =	sdelay $0x1  }
0x9f: {  	s19 =	simm.s32 $_scs_section_size  }
0xa0: {  	s5 =	simm.s32 $_size__tile_overlayer_lowered;
	s6 =	simm.s32 $_tile_overlayer_lowered  }
0xa1: {  	s22 =	simm.s32 $0x1BFF;
	s21 =	sshll.u32 s6, $0x1;
	s3 =	sadd.s32 s19, s18  }
0xa2: {  	s7 =	simm.s32 $0x0;
	s20 =	sshll.u32 s5, $0x1;
	s5 =	sadd.s32 s21, s3  }
0xa3: {  	[timem:s7], [sflag:s22] =	dma.local [hbm:s5], s20  }
0xa4: {  	_ =	swait.ge [sflag:s22], s20  }
0xa5: {  	s4 =	ssub.s32 $0x0, s20;
	[sflag:s22] =	ssyncset.done $0x0  }
0xa6: {  	[sflag:s22] =	ssyncadd.s32 s4;
	_ =	sdelay $0x1  }
0xa7: {  	s23 =	simm.s32 $0x1B8B  }
0xa8: {  	_ =	swait.ge [sflag:s23], $0x1  }
0xa9: {  	[sflag:s23] =	ssyncset.done $0x0  }
0xaa: {  	s25 =	simm.s32 $0x1B8E;
	s24 =	sld [smem:$0x3FFE];
	[sflag:s23] =	ssyncadd.s32 $0xFFFFFFFF  }
0xab: {  	s26 =	simm.s32 $execute0_lowered;
	[smem:$0x3FD2] =	sst s25  }
0xac: {  	s5 =	sshll.u32 s26, $0x1;
	_ =	strace $0x80000046;
	[dreg:$0x1] =	wrdreg $0xFFFFFFFF  }
0xad: {  	s28 =	simm.s32 $_size_execute0_lowered;
	s3 =	sadd.s32 s3, s5;
	[dreg:$0x0] =	wrdreg $0x0  }
0xae: {  	s5 =	sshll.u32 s28, $0x1;
	[dreg:$0x2] =	wrdreg s3  }
0xaf: {  	[dreg:$0x3] =	wrdreg s5  }
0xb0: {  	[dreg:$0x4] =	wrdreg $0xC0  }
0xb1: {  	_ =	task [dreg:s7], $0x5FFFF  }
0xb2: {  	[dreg:$0x1] =	wrdreg $0xFFFFFFFF  }
0xb3: {  	[dreg:$0x0] =	wrdreg $0x60  }
0xb4: {  	[dreg:$0x2] =	wrdreg s24  }
0xb5: {  	[dreg:$0x3] =	wrdreg s16  }
0xb6: {  	[dreg:$0x4] =	wrdreg $0x9  }
0xb7: {  	_ =	task.clear_ibuf [dreg:s7], $0x5FFFF;
	_ =	strace $0x90000046  }
0xb8: {  	s29 =	simm.s32 $0x9;
	_ =	strace $0x80000048  }
0xb9: {  	_ =	swait.ge [sflag:s29], $0x1  }
0xba: {  	[sflag:s29] =	ssyncadd.s32 $0xFFFFFFFF  }
0xbb: {  	_ =	strace $0x90000048  }
0xbc: {  	_ =	sfence  }
0xbd: {  	s30 =	sld [smem:$0x0];
	_ =	sdelay $0x2  }
0xbe: {  	s31 =	sshll.u32 s1, $0xD;
	s1 =	sshrl.u32 s1, $0x2  }
0xbf: {  	s3 =	sand.u32 $0x4000, s31;
	s1 =	sadd.s32 s1, s30  }
0xc0: {  	s0 =	sor.u32 s3, s0;
	s1 =	sshll.u32 s1, $0x11  }
0xc1: {  	s0 =	sor.u32 s1, s0  }
0xc2: {  	s0 =	sadd.s32 $0x8F2B, s0  }
0xc3: {  	[sflag:s0] =	ssyncadd.remote.s32 $0x1  }
0xc4: {  	_ =	sfence.sel $0xFFFF  }
0xc5: {  	[dreg:$0x0] =	wrdreg $0xFFFFFFFF;
	(pc) =	sbr.abs _section_cstart, $3  }
0xc6: {  	[dreg:$0x1] =	wrdreg $0xFFFFFFFF  }
0xc7: {  	_ =	task.clear_ibuf [dreg:s7], $0x2FFFF;
	_ =	strace $0x9FFFFFFF  }
0xc8: {  	(tm) =	ssettm $0x7FFFFFFF  }
0xc9: {  	_ =	shalt  }
tec
execute0_lowered:
.L_overlay_start_1:
0x0: {  	(tag) =	ssettag $0x1  }
0x1: {  	s1 =	srdreg.scid;
	s0 =	stileid.u32  }
0x2: {  	s14 =	rddreg [dreg:$0x0];
	s30 =	sand.u32 $0x1, s1;
	s4 =	sshll.u32 s0, $0x1  }
0x3: {  	s3 =	rddreg [dreg:$0x1];
	s2 =	simm.s32 $0x0;
	s15 =	sor.u32 s30, s4  }
0x4: {  	[smem:$0x7FF] =	sst s2;
	s4 =	sshll.u32 s15, $0x8  }
0x5: {  	_ =	strace $0x80000047;
	s4 =	sadd.s32 s3, s4;
	s3 =	simm.s32 $0x2  }
0x6: {  	[tilespmem:s2], [sflag:$0x2] =	stream.linear.gather [hbm4b:s4+s2], $0x800, $0x38;
	[tilespmem:$0x10800] =	vst v63  }
0x7: {  	_ =	swait.ge [sflag:s3], $0x800  }
0x8: {  	s6 =	simm.s32 $0x80;
	[sflag:s3] =	ssyncset.done $0x0  }
0x9: {  	s7 =	simm.s32 $0x800;
	s5 =	sadd.s32 $0x3000, s14;
	[sflag:s3] =	ssyncadd.s32 $0xFFFFF800  }
0xa: {  	[tilespmem:s7], [sflag:$0x1] =	stream.indirect.gather [hbm4b:s5+s6], $0x80, s2, s6, $0xb8;
	[tilespmem:$0x10800] =	vst v63  }
0xb: {  	s8 =	simm.s32 $0x4800  }
0xc: {  	[tilespmem:s8], [sflag:$0x1] =	stream.indirect.gather [hbm4b:s5+s6], $0x80, s6, s6, $0xb8;
	[tilespmem:$0x10800] =	vst v63  }
0xd: {  	s9 =	simm.s32 $0x100;
	s10 =	simm.s32 $0x8800  }
0xe: {  	[tilespmem:s10], [sflag:$0x1] =	stream.indirect.gather [hbm4b:s5+s6], $0x80, s9, s6, $0xb8;
	[tilespmem:$0x10800] =	vst v63  }
0xf: {  	s11 =	simm.s32 $0x180;
	s12 =	simm.s32 $0xC800;
	s13 =	simm.s32 $0x1  }
0x10: {  	[tilespmem:s12], [sflag:$0x1] =	stream.indirect.gather [hbm4b:s5+s6], $0x80, s11, s6, $0xb8;
	[tilespmem:$0x10800] =	vst v63  }
0x11: {  	_ =	swait.ge [sflag:s13], $0x4000  }
0x12: {  	[sflag:s13] =	ssyncset.done $0x0  }
0x13: {  	[sflag:s13] =	ssyncadd.s32 $0xFFFFC000  }
0x14: {  	_ =	swait.ge [sflag:s13], $0x4000  }
0x15: {  	[sflag:s13] =	ssyncset.done $0x0  }
0x16: {  	[sflag:s13] =	ssyncadd.s32 $0xFFFFC000  }
0x17: {  	_ =	swait.ge [sflag:s13], $0x4000  }
0x18: {  	[sflag:s13] =	ssyncset.done $0x0  }
0x19: {  	[sflag:s13] =	ssyncadd.s32 $0xFFFFC000  }
0x1a: {  	s15 =	sshll.u32 s15, $0xF;
	_ =	swait.ge [sflag:s13], $0x4000  }
0x1b: {  	s31 =	sadd.s32 s15, s14;
	[sflag:s13] =	ssyncset.done $0x0  }
0x1c: {  	s14 =	sadd.s32 $0x43000, s31;
	[sflag:s13] =	ssyncadd.s32 $0xFFFFC000  }
0x1d: {  	[hbm4b:s14+s2] =	stream.linear.scatter [tilespmem:s7], [sflag:$0x2], $0x10000, $0x38;
	[tilespmem:$0x10800] =	vst v63  }
0x1e: {  	_ =	swait.ge [sflag:s3], $0x10000  }
0x1f: {  	[sflag:s3] =	ssyncset.done $0x0  }
0x20: {  	s15 =	simm.s32 $0x200;
	[sflag:s3] =	ssyncadd.s32 $0xFFFF0000  }
0x21: {  	[tilespmem:s7], [sflag:$0x1] =	stream.indirect.gather [hbm4b:s5+s6], $0x80, s15, s6, $0xb8;
	[tilespmem:$0x10800] =	vst v63  }
0x22: {  	s16 =	simm.s32 $0x280  }
0x23: {  	[tilespmem:s8], [sflag:$0x1] =	stream.indirect.gather [hbm4b:s5+s6], $0x80, s16, s6, $0xb8;
	[tilespmem:$0x10800] =	vst v63  }
0x24: {  	s17 =	simm.s32 $0x300  }
0x25: {  	[tilespmem:s10], [sflag:$0x1] =	stream.indirect.gather [hbm4b:s5+s6], $0x80, s17, s6, $0xb8;
	[tilespmem:$0x10800] =	vst v63  }
0x26: {  	s18 =	simm.s32 $0x380  }
0x27: {  	[tilespmem:s12], [sflag:$0x1] =	stream.indirect.gather [hbm4b:s5+s6], $0x80, s18, s6, $0xb8;
	[tilespmem:$0x10800] =	vst v63  }
0x28: {  	_ =	swait.ge [sflag:s13], $0x4000  }
0x29: {  	[sflag:s13] =	ssyncset.done $0x0  }
0x2a: {  	[sflag:s13] =	ssyncadd.s32 $0xFFFFC000  }
0x2b: {  	_ =	swait.ge [sflag:s13], $0x4000  }
0x2c: {  	[sflag:s13] =	ssyncset.done $0x0  }
0x2d: {  	[sflag:s13] =	ssyncadd.s32 $0xFFFFC000  }
0x2e: {  	_ =	swait.ge [sflag:s13], $0x4000  }
0x2f: {  	[sflag:s13] =	ssyncset.done $0x0  }
0x30: {  	[sflag:s13] =	ssyncadd.s32 $0xFFFFC000  }
0x31: {  	_ =	swait.ge [sflag:s13], $0x4000  }
0x32: {  	[sflag:s13] =	ssyncset.done $0x0  }
0x33: {  	s19 =	sadd.s32 $0x45000, s31;
	[sflag:s13] =	ssyncadd.s32 $0xFFFFC000  }
0x34: {  	[hbm4b:s19+s2] =	stream.linear.scatter [tilespmem:s7], [sflag:$0x2], $0x10000, $0x38;
	[tilespmem:$0x10800] =	vst v63  }
0x35: {  	_ =	swait.ge [sflag:s3], $0x10000  }
0x36: {  	[sflag:s3] =	ssyncset.done $0x0  }
0x37: {  	s20 =	simm.s32 $0x400;
	[sflag:s3] =	ssyncadd.s32 $0xFFFF0000  }
0x38: {  	[tilespmem:s7], [sflag:$0x1] =	stream.indirect.gather [hbm4b:s5+s6], $0x80, s20, s6, $0xb8;
	[tilespmem:$0x10800] =	vst v63  }
0x39: {  	s21 =	simm.s32 $0x480  }
0x3a: {  	[tilespmem:s8], [sflag:$0x1] =	stream.indirect.gather [hbm4b:s5+s6], $0x80, s21, s6, $0xb8;
	[tilespmem:$0x10800] =	vst v63  }
0x3b: {  	s22 =	simm.s32 $0x500  }
0x3c: {  	[tilespmem:s10], [sflag:$0x1] =	stream.indirect.gather [hbm4b:s5+s6], $0x80, s22, s6, $0xb8;
	[tilespmem:$0x10800] =	vst v63  }
0x3d: {  	s23 =	simm.s32 $0x580  }
0x3e: {  	[tilespmem:s12], [sflag:$0x1] =	stream.indirect.gather [hbm4b:s5+s6], $0x80, s23, s6, $0xb8;
	[tilespmem:$0x10800] =	vst v63  }
0x3f: {  	_ =	swait.ge [sflag:s13], $0x4000  }
0x40: {  	[sflag:s13] =	ssyncset.done $0x0  }
0x41: {  	[sflag:s13] =	ssyncadd.s32 $0xFFFFC000  }
0x42: {  	_ =	swait.ge [sflag:s13], $0x4000  }
0x43: {  	[sflag:s13] =	ssyncset.done $0x0  }
0x44: {  	[sflag:s13] =	ssyncadd.s32 $0xFFFFC000  }
0x45: {  	_ =	swait.ge [sflag:s13], $0x4000  }
0x46: {  	[sflag:s13] =	ssyncset.done $0x0  }
0x47: {  	[sflag:s13] =	ssyncadd.s32 $0xFFFFC000  }
0x48: {  	_ =	swait.ge [sflag:s13], $0x4000  }
0x49: {  	[sflag:s13] =	ssyncset.done $0x0  }
0x4a: {  	s24 =	sadd.s32 $0x47000, s31;
	[sflag:s13] =	ssyncadd.s32 $0xFFFFC000  }
0x4b: {  	[hbm4b:s24+s2] =	stream.linear.scatter [tilespmem:s7], [sflag:$0x2], $0x10000, $0x38;
	[tilespmem:$0x10800] =	vst v63  }
0x4c: {  	_ =	swait.ge [sflag:s3], $0x10000  }
0x4d: {  	[sflag:s3] =	ssyncset.done $0x0  }
0x4e: {  	s25 =	simm.s32 $0x600;
	[sflag:s3] =	ssyncadd.s32 $0xFFFF0000  }
0x4f: {  	[tilespmem:s7], [sflag:$0x1] =	stream.indirect.gather [hbm4b:s5+s6], $0x80, s25, s6, $0xb8;
	[tilespmem:$0x10800] =	vst v63  }
0x50: {  	s26 =	simm.s32 $0x680  }
0x51: {  	[tilespmem:s8], [sflag:$0x1] =	stream.indirect.gather [hbm4b:s5+s6], $0x80, s26, s6, $0xb8;
	[tilespmem:$0x10800] =	vst v63  }
0x52: {  	s28 =	simm.s32 $0x700  }
0x53: {  	[tilespmem:s10], [sflag:$0x1] =	stream.indirect.gather [hbm4b:s5+s6], $0x80, s28, s6, $0xb8;
	[tilespmem:$0x10800] =	vst v63  }
0x54: {  	s29 =	simm.s32 $0x780  }
0x55: {  	[tilespmem:s12], [sflag:$0x1] =	stream.indirect.gather [hbm4b:s5+s6], $0x80, s29, s6, $0xb8;
	[tilespmem:$0x10800] =	vst v63  }
0x56: {  	_ =	swait.ge [sflag:s13], $0x4000  }
0x57: {  	[sflag:s13] =	ssyncset.done $0x0  }
0x58: {  	[sflag:s13] =	ssyncadd.s32 $0xFFFFC000  }
0x59: {  	_ =	swait.ge [sflag:s13], $0x4000  }
0x5a: {  	[sflag:s13] =	ssyncset.done $0x0  }
0x5b: {  	s30 =	ssub.s32 $0x2, s30;
	[sflag:s13] =	ssyncadd.s32 $0xFFFFC000  }
0x5c: {  	s1 =	sshrl.u32 s30, $0x1;
	_ =	swait.ge [sflag:s13], $0x4000  }
0x5d: {  	s1 =	ssub.s32 s30, s1;
	[sflag:s13] =	ssyncset.done $0x0  }
0x5e: {  	s1 =	smax.u32 s1, $0x1;
	[sflag:s13] =	ssyncadd.s32 $0xFFFFC000  }
0x5f: {  	p0 =	sne.s32 s1, $0x1;
	_ =	swait.ge [sflag:s13], $0x4000  }
.Ltmp0:
0x60: {  	[sflag:s13] =	ssyncset.done $0x0;
	(pc) =	sbr.rel @!p0 .LBB2_2-.Ltmp0, $4  }
0x61: {  	s30 =	sadd.s32 $0x49000, s31;
	[sflag:s13] =	ssyncadd.s32 $0xFFFFC000  }
0x62: {  	[hbm4b:s30+s2] =	stream.linear.scatter [tilespmem:s7], [sflag:$0x2], $0x10000, $0x38;
	[tilespmem:$0x10800] =	vst v63  }
0x63: {  	_ =	swait.ge [sflag:s3], $0x10000  }
0x64: {  	s31 =	sadd.s32 $0xFFFFFFFF, s1;
	[sflag:s3] =	ssyncset.done $0x0  }
.LBB2_1:
0x65: {  	p0 =	sne.s32 s31, $0x1;
	s31 =	sadd.s32 $0xFFFFFFFF, s31;
	[sflag:s3] =	ssyncadd.s32 $0xFFFF0000  }
0x66: {  	[tilespmem:s2], [sflag:$0x2] =	stream.linear.gather [hbm4b:s4+s2], $0x800, $0x38;
	[tilespmem:$0x10800] =	vst v63  }
0x67: {  	_ =	swait.ge [sflag:s3], $0x800  }
0x68: {  	[sflag:s3] =	ssyncset.done $0x0  }
0x69: {  	[sflag:s3] =	ssyncadd.s32 $0xFFFFF800  }
0x6a: {  	[tilespmem:s7], [sflag:$0x1] =	stream.indirect.gather [hbm4b:s5+s6], $0x80, s2, s6, $0xb8;
	[tilespmem:$0x10800] =	vst v63  }
0x6b: {  	_ = 	snop  }
0x6c: {  	[tilespmem:s8], [sflag:$0x1] =	stream.indirect.gather [hbm4b:s5+s6], $0x80, s6, s6, $0xb8;
	[tilespmem:$0x10800] =	vst v63  }
0x6d: {  	_ = 	snop  }
0x6e: {  	[tilespmem:s10], [sflag:$0x1] =	stream.indirect.gather [hbm4b:s5+s6], $0x80, s9, s6, $0xb8;
	[tilespmem:$0x10800] =	vst v63  }
0x6f: {  	_ = 	snop  }
0x70: {  	[tilespmem:s12], [sflag:$0x1] =	stream.indirect.gather [hbm4b:s5+s6], $0x80, s11, s6, $0xb8;
	[tilespmem:$0x10800] =	vst v63  }
0x71: {  	_ =	swait.ge [sflag:s13], $0x4000  }
0x72: {  	[sflag:s13] =	ssyncset.done $0x0  }
0x73: {  	[sflag:s13] =	ssyncadd.s32 $0xFFFFC000  }
0x74: {  	_ =	swait.ge [sflag:s13], $0x4000  }
0x75: {  	[sflag:s13] =	ssyncset.done $0x0  }
0x76: {  	[sflag:s13] =	ssyncadd.s32 $0xFFFFC000  }
0x77: {  	_ =	swait.ge [sflag:s13], $0x4000  }
0x78: {  	[sflag:s13] =	ssyncset.done $0x0  }
0x79: {  	[sflag:s13] =	ssyncadd.s32 $0xFFFFC000  }
0x7a: {  	_ =	swait.ge [sflag:s13], $0x4000  }
0x7b: {  	[sflag:s13] =	ssyncset.done $0x0  }
0x7c: {  	[sflag:s13] =	ssyncadd.s32 $0xFFFFC000  }
0x7d: {  	[hbm4b:s14+s2] =	stream.linear.scatter [tilespmem:s7], [sflag:$0x2], $0x10000, $0x38;
	[tilespmem:$0x10800] =	vst v63  }
0x7e: {  	_ =	swait.ge [sflag:s3], $0x10000  }
0x7f: {  	[sflag:s3] =	ssyncset.done $0x0  }
0x80: {  	[sflag:s3] =	ssyncadd.s32 $0xFFFF0000  }
0x81: {  	[tilespmem:s7], [sflag:$0x1] =	stream.indirect.gather [hbm4b:s5+s6], $0x80, s15, s6, $0xb8;
	[tilespmem:$0x10800] =	vst v63  }
0x82: {  	_ = 	snop  }
0x83: {  	[tilespmem:s8], [sflag:$0x1] =	stream.indirect.gather [hbm4b:s5+s6], $0x80, s16, s6, $0xb8;
	[tilespmem:$0x10800] =	vst v63  }
0x84: {  	_ = 	snop  }
0x85: {  	[tilespmem:s10], [sflag:$0x1] =	stream.indirect.gather [hbm4b:s5+s6], $0x80, s17, s6, $0xb8;
	[tilespmem:$0x10800] =	vst v63  }
0x86: {  	_ = 	snop  }
0x87: {  	[tilespmem:s12], [sflag:$0x1] =	stream.indirect.gather [hbm4b:s5+s6], $0x80, s18, s6, $0xb8;
	[tilespmem:$0x10800] =	vst v63  }
0x88: {  	_ =	swait.ge [sflag:s13], $0x4000  }
0x89: {  	[sflag:s13] =	ssyncset.done $0x0  }
0x8a: {  	[sflag:s13] =	ssyncadd.s32 $0xFFFFC000  }
0x8b: {  	_ =	swait.ge [sflag:s13], $0x4000  }
0x8c: {  	[sflag:s13] =	ssyncset.done $0x0  }
0x8d: {  	[sflag:s13] =	ssyncadd.s32 $0xFFFFC000  }
0x8e: {  	_ =	swait.ge [sflag:s13], $0x4000  }
0x8f: {  	[sflag:s13] =	ssyncset.done $0x0  }
0x90: {  	[sflag:s13] =	ssyncadd.s32 $0xFFFFC000  }
0x91: {  	_ =	swait.ge [sflag:s13], $0x4000  }
0x92: {  	[sflag:s13] =	ssyncset.done $0x0  }
0x93: {  	[sflag:s13] =	ssyncadd.s32 $0xFFFFC000  }
0x94: {  	[hbm4b:s19+s2] =	stream.linear.scatter [tilespmem:s7], [sflag:$0x2], $0x10000, $0x38;
	[tilespmem:$0x10800] =	vst v63  }
0x95: {  	_ =	swait.ge [sflag:s3], $0x10000  }
0x96: {  	[sflag:s3] =	ssyncset.done $0x0  }
0x97: {  	[sflag:s3] =	ssyncadd.s32 $0xFFFF0000  }
0x98: {  	[tilespmem:s7], [sflag:$0x1] =	stream.indirect.gather [hbm4b:s5+s6], $0x80, s20, s6, $0xb8;
	[tilespmem:$0x10800] =	vst v63  }
0x99: {  	_ = 	snop  }
0x9a: {  	[tilespmem:s8], [sflag:$0x1] =	stream.indirect.gather [hbm4b:s5+s6], $0x80, s21, s6, $0xb8;
	[tilespmem:$0x10800] =	vst v63  }
0x9b: {  	_ = 	snop  }
0x9c: {  	[tilespmem:s10], [sflag:$0x1] =	stream.indirect.gather [hbm4b:s5+s6], $0x80, s22, s6, $0xb8;
	[tilespmem:$0x10800] =	vst v63  }
0x9d: {  	_ = 	snop  }
0x9e: {  	[tilespmem:s12], [sflag:$0x1] =	stream.indirect.gather [hbm4b:s5+s6], $0x80, s23, s6, $0xb8;
	[tilespmem:$0x10800] =	vst v63  }
0x9f: {  	_ =	swait.ge [sflag:s13], $0x4000  }
0xa0: {  	[sflag:s13] =	ssyncset.done $0x0  }
0xa1: {  	[sflag:s13] =	ssyncadd.s32 $0xFFFFC000  }
0xa2: {  	_ =	swait.ge [sflag:s13], $0x4000  }
0xa3: {  	[sflag:s13] =	ssyncset.done $0x0  }
0xa4: {  	[sflag:s13] =	ssyncadd.s32 $0xFFFFC000  }
0xa5: {  	_ =	swait.ge [sflag:s13], $0x4000  }
0xa6: {  	[sflag:s13] =	ssyncset.done $0x0  }
0xa7: {  	[sflag:s13] =	ssyncadd.s32 $0xFFFFC000  }
0xa8: {  	_ =	swait.ge [sflag:s13], $0x4000  }
0xa9: {  	[sflag:s13] =	ssyncset.done $0x0  }
0xaa: {  	[sflag:s13] =	ssyncadd.s32 $0xFFFFC000  }
0xab: {  	[hbm4b:s24+s2] =	stream.linear.scatter [tilespmem:s7], [sflag:$0x2], $0x10000, $0x38;
	[tilespmem:$0x10800] =	vst v63  }
0xac: {  	_ =	swait.ge [sflag:s3], $0x10000  }
0xad: {  	[sflag:s3] =	ssyncset.done $0x0  }
0xae: {  	[sflag:s3] =	ssyncadd.s32 $0xFFFF0000  }
0xaf: {  	[tilespmem:s7], [sflag:$0x1] =	stream.indirect.gather [hbm4b:s5+s6], $0x80, s25, s6, $0xb8;
	[tilespmem:$0x10800] =	vst v63  }
0xb0: {  	_ = 	snop  }
0xb1: {  	[tilespmem:s8], [sflag:$0x1] =	stream.indirect.gather [hbm4b:s5+s6], $0x80, s26, s6, $0xb8;
	[tilespmem:$0x10800] =	vst v63  }
0xb2: {  	_ = 	snop  }
0xb3: {  	[tilespmem:s10], [sflag:$0x1] =	stream.indirect.gather [hbm4b:s5+s6], $0x80, s28, s6, $0xb8;
	[tilespmem:$0x10800] =	vst v63  }
0xb4: {  	_ = 	snop  }
0xb5: {  	[tilespmem:s12], [sflag:$0x1] =	stream.indirect.gather [hbm4b:s5+s6], $0x80, s29, s6, $0xb8;
	[tilespmem:$0x10800] =	vst v63  }
0xb6: {  	_ =	swait.ge [sflag:s13], $0x4000  }
0xb7: {  	[sflag:s13] =	ssyncset.done $0x0  }
0xb8: {  	[sflag:s13] =	ssyncadd.s32 $0xFFFFC000  }
0xb9: {  	_ =	swait.ge [sflag:s13], $0x4000  }
0xba: {  	[sflag:s13] =	ssyncset.done $0x0  }
0xbb: {  	[sflag:s13] =	ssyncadd.s32 $0xFFFFC000  }
0xbc: {  	_ =	swait.ge [sflag:s13], $0x4000  }
0xbd: {  	[sflag:s13] =	ssyncset.done $0x0  }
0xbe: {  	[sflag:s13] =	ssyncadd.s32 $0xFFFFC000  }
0xbf: {  	_ =	swait.ge [sflag:s13], $0x4000  }
.Ltmp1:
0xc0: {  	[sflag:s13] =	ssyncset.done $0x0;
	(pc) =	sbr.rel @p0 .LBB2_1-.Ltmp1, $4  }
0xc1: {  	[sflag:s13] =	ssyncadd.s32 $0xFFFFC000  }
0xc2: {  	[hbm4b:s30+s2] =	stream.linear.scatter [tilespmem:s7], [sflag:$0x2], $0x10000, $0x38;
	[tilespmem:$0x10800] =	vst v63  }
0xc3: {  	_ =	swait.ge [sflag:s3], $0x10000  }
0xc4: {  	[sflag:s3] =	ssyncset.done $0x0  }
.LBB2_2:
0xc5: {  	[sflag:s3] =	ssyncadd.s32 $0xFFFF0000  }
0xc6: {  	_ =	sfence.sel $0x180000  }
0xc7: {  	[bflag:$0x0] =	sbarrier.arrive $0xFFFF  }
0xc8: {  	_ =	strace $0x90000047  }
0xc9: {  	[bflag:$0x2] =	sbarrier.arrive $0xFFFF  }
0xca: {  	p0 =	sne.s32 s0, $0x0;
	s0 =	rddreg [dreg:$0x2]  }
0xcb: {  	s0 =	sadd.s32 @!p0 $0x100000, s0  }
0xcc: {  	[sflag:s0] =	ssyncadd.tile.s32 @!p0 $0x1;
	_ =	shalt  }
.Lfunc_end2:
_tile_overlayer_lowered:
.L_overlay_start_2:
0xcd: {  	(tag) =	ssettag $0x2  }
0xce: {  	s0 =	rddreg [dreg:$0x0];
	s2 =	stileid.u32  }
0xcf: {  	s1 =	rddreg [dreg:$0x1];
	p0 =	sne.s32 s2, $0x0  }
0xd0: {  	s3 =	rddreg [dreg:$0x2];
	[bflag:$0x3] =	sbarrier.arrive $0xFFFF;
	s2 =	simm.s32 @!p0 $0x1C02  }
0xd1: {  	[timem:s3], [sflag:s2] =	dma.local @!p0 [hbm:s0], s1  }
0xd2: {  	s0 =	simm.s32 @!p0 $0x2  }
0xd3: {  	_ =	swait.ge @!p0 [sflag:s0], s1  }
0xd4: {  	s1 =	ssub.s32 @!p0 $0x0, s1;
	[sflag:s0] =	ssyncset.done @!p0 $0x0  }
0xd5: {  	[sflag:s0] =	ssyncadd.s32 @!p0 s1  }
0xd6: {  	[bflag:$0x3] =	sbarrier.arrive $0xFFFF  }
0xd7: {  	_ =	shalt  }

</sc_bundles>
